<compile_context>
chip_gen: v7x
topology: tpu7x:2x2x1
jax: 0.10.2.dev20260603
libtpu: 0.0.44.dev20260713+nightly
codegen_flags: <defaults>
</compile_context>

<pallas_src>
import functools

import jax
import jax.numpy as jnp
import numpy as np
from jax import lax
from jax.experimental import pallas as pl
from jax.experimental.pallas import tpu as pltpu
from jax.experimental.pallas import tpu_sc as plsc

NUM_RBF = 16
NUM_POS = 16
TOP_K = 48
HIDDEN = 128
MAX_REL = 32
_CB_A = -0.58273431
_CB_B = 0.56802827
_CB_C = -0.54067466
RBF_D_MIN = 2.0
RBF_D_MAX = 22.0

_RBLK = 256
_RES = 64
_NW = 32

_NPAIR = 25
_F = 512
_FD = 384


def _pair_col(p, m_lo, t=0):
    return t * 128 + m_lo * 32 + p


def _prep_body(p_ref, mc_ref, tab_ref, tabc_ref):
    x = p_ref[0]
    c = lambda i: x[:, i:i + 1]
    bx = c(3) - c(0)
    by = c(4) - c(1)
    bz = c(5) - c(2)
    cx = c(6) - c(3)
    cy = c(7) - c(4)
    cz = c(8) - c(5)
    ax = by * cz - bz * cy
    ay = bz * cx - bx * cz
    az = bx * cy - by * cx
    cbx = _CB_A * ax + _CB_B * bx + _CB_C * cx + c(3)
    cby = _CB_A * ay + _CB_B * by + _CB_C * cy + c(4)
    cbz = _CB_A * az + _CB_B * bz + _CB_C * cz + c(5)
    zeros = jnp.zeros((x.shape[0], 15), jnp.float32)
    base = jnp.concatenate(
        [x[:, 0:12], cbx, cby, cbz, c(12), c(13)], axis=1)
    tab_ref[0] = jnp.concatenate([base, zeros], axis=1)
    tabc_ref[0] = jnp.dot(base, mc_ref[...],
                          preferred_element_type=jnp.float32,
                          precision=lax.Precision.HIGHEST)


def _topk_body(xc_ref, xr_ref, m_ref, eidx_ref, flat_ref, d_ref, *, L):
    b = pl.program_id(0)
    xc = xc_ref[0]
    xr = xr_ref[0]
    m = m_ref[0]
    dx = xc[:, 3:4] - xr[3:4, :]
    dy = xc[:, 4:5] - xr[4:5, :]
    dz = xc[:, 5:6] - xr[5:6, :]
    d = dx * dx + dy * dy + dz * dz
    d = d + (1.0 - m) * 1000000.0
    d_ref[...] = d
    kiota = lax.broadcasted_iota(jnp.int32, (_RBLK, TOP_K), 1)

    def body(k, eidx):
        dcur = d_ref[...]
        iota = lax.broadcasted_iota(jnp.int32, (_RBLK, L), 1)
        mn = jnp.min(dcur, axis=1, keepdims=True)
        sel = jnp.where(dcur == mn, iota, jnp.int32(2**30))
        arg = jnp.min(sel, axis=1, keepdims=True)
        eidx = jnp.where(kiota == k, arg, eidx)
        d_ref[...] = jnp.where(iota == arg, jnp.float32(1e30), dcur)
        return eidx

    eidx = lax.fori_loop(0, TOP_K, body,
                         jnp.zeros((_RBLK, TOP_K), jnp.int32))
    eidx_ref[0] = eidx
    flat_ref[0] = eidx + b * L


def _gather_body(idx_hbm, tab_hbm, out_hbm, idx_v, rows_v, sem, *, cpw):
    wid = lax.axis_index("s") * 2 + lax.axis_index("c")
    base = wid * cpw
    pltpu.sync_copy(idx_hbm.at[pl.ds(base, cpw)], idx_v)

    def fire(j, carry):
        pltpu.async_copy(tab_hbm.at[idx_v.at[j]], rows_v.at[j], sem)
        return carry

    def drain(j, carry):
        pltpu.make_async_copy(tab_hbm.at[idx_v.at[j]], rows_v.at[j], sem).wait()
        return carry

    lax.fori_loop(0, cpw, fire, 0)
    lax.fori_loop(0, cpw, drain, 0)
    pltpu.sync_copy(rows_v, out_hbm.at[pl.ds(base, cpw)])


def _gather_rows(idx2d, tab2d):
    nrows = idx2d.shape[0]
    cpw = nrows // _NW
    mesh = plsc.VectorSubcoreMesh(
        core_axis_name="c", subcore_axis_name="s", num_cores=2, num_subcores=16)
    fn = pl.kernel(
        functools.partial(_gather_body, cpw=cpw),
        out_type=jax.ShapeDtypeStruct((nrows, 128, 32), jnp.float32),
        mesh=mesh,
        scratch_types=[
            pltpu.VMEM((cpw, 128), jnp.int32),
            pltpu.VMEM((cpw, 128, 32), jnp.float32),
            pltpu.SemaphoreType.DMA,
        ],
        compiler_params=pltpu.CompilerParams(use_tc_tiling_on_sc=False),
    )
    return fn(idx2d, tab2d)


def _feat_body(tabc_ref, gat_ref, rmat_ref, negmn_ref, mu_ref,
               mpos_ref, w2t_ref, bias_ref, gam_ref, bet_ref, out_ref):
    f32 = jnp.float32
    EB = _RES * TOP_K
    hc = tabc_ref[0]
    g = gat_ref[0].reshape(EB, 32)
    bf16 = jnp.bfloat16
    g_hi = g.astype(bf16)
    g_lo = (g - g_hi.astype(f32)).astype(bf16)
    hc_hi = hc.astype(bf16)
    hc_lo = (hc - hc_hi.astype(f32)).astype(bf16)
    rmat_b = rmat_ref[...]
    negmn_b = negmn_ref[...]
    lhs_hi = jnp.concatenate([rmat_b, g_hi], axis=1)
    lhs_lo = jnp.concatenate([rmat_b, g_lo], axis=1)
    rhs_hi = jnp.concatenate([hc_hi, negmn_b], axis=0)
    rhs_lo = jnp.concatenate([hc_lo, negmn_b], axis=0)
    diffp = (jnp.dot(lhs_hi, rhs_hi, preferred_element_type=f32)
             + jnp.dot(lhs_lo, rhs_lo, preferred_element_type=f32))
    dxp = diffp[:, 0:128]
    dyp = diffp[:, 128:256]
    dzp = diffp[:, 256:384]
    ssq = dxp * dxp + dyp * dyp + dzp * dzp
    dist = jnp.sqrt(ssq + 1e-06)
    d512 = jnp.concatenate([dist, dist, dist, dist], axis=1)
    z = d512 - mu_ref[...]
    rbf = jnp.exp(-(z * z) * 0.64)
    off = diffp[:, 26:27]
    ec = (diffp[:, 25:26] == 0.0).astype(f32)
    dpos = jnp.clip(off + 32.0, 0.0, 64.0) * ec + (1.0 - ec) * 65.0
    lane = lax.broadcasted_iota(jnp.int32, (EB, 128), 1).astype(f32)
    oneh = (lane == dpos).astype(f32)
    acc = (jnp.dot(oneh, mpos_ref[...], preferred_element_type=f32)
           + jnp.dot(rbf, w2t_ref[...], preferred_element_type=f32)
           + bias_ref[...])
    mu_ln = jnp.mean(acc, axis=1, keepdims=True)
    xcen = acc - mu_ln
    var = jnp.mean(xcen * xcen, axis=1, keepdims=True)
    y = xcen * lax.rsqrt(var + 1e-05) * gam_ref[...] + bet_ref[...]
    out_ref[0] = y.reshape(_RES, TOP_K, HIDDEN)


def kernel(X, residue_mask, R_idx, chain_labels, W_pos, b_pos, W_edge,
           gamma, beta):
    f32 = jnp.float32
    B, L = X.shape[0], X.shape[1]
    X = X.astype(f32)
    X2 = X.reshape(B, L, 12)
    Xt = jnp.transpose(X2, (0, 2, 1))
    maskr = residue_mask.astype(f32).reshape(B, 1, L)
    chain_f = chain_labels.astype(f32)[..., None]
    r_f = R_idx.astype(f32)[..., None]
    P = jnp.concatenate([X2, chain_f, r_f], axis=-1)

    mc = np.zeros((17, _FD), np.float32)
    negmn = np.zeros((32, _FD), np.float32)
    for t in range(3):
        for p in range(_NPAIR):
            for m_lo in range(4):
                mc[(p // 5) * 3 + t, _pair_col(p, m_lo, t)] = 1.0
                negmn[(p % 5) * 3 + t, _pair_col(p, m_lo, t)] = -1.0
    mc[15, 25] = 1.0
    mc[16, 26] = 1.0
    negmn[15, 25] = -1.0
    negmn[16, 26] = -1.0

    table, tabc = pl.pallas_call(
        _prep_body,
        grid=(B,),
        in_specs=[
            pl.BlockSpec((1, L, 14), lambda b: (b, 0, 0)),
            pl.BlockSpec((17, _FD), lambda b: (0, 0)),
        ],
        out_specs=[
            pl.BlockSpec((1, L, 32), lambda b: (b, 0, 0)),
            pl.BlockSpec((1, L, _FD), lambda b: (b, 0, 0)),
        ],
        out_shape=[
            jax.ShapeDtypeStruct((B, L, 32), f32),
            jax.ShapeDtypeStruct((B, L, _FD), f32),
        ],
    )(P, jnp.asarray(mc))

    nblk = L // _RBLK
    eidx, flat = pl.pallas_call(
        functools.partial(_topk_body, L=L),
        grid=(B, nblk),
        in_specs=[
            pl.BlockSpec((1, _RBLK, 12), lambda b, i: (b, i, 0)),
            pl.BlockSpec((1, 12, L), lambda b, i: (b, 0, 0)),
            pl.BlockSpec((1, 1, L), lambda b, i: (b, 0, 0)),
        ],
        out_specs=[
            pl.BlockSpec((1, _RBLK, TOP_K), lambda b, i: (b, i, 0)),
            pl.BlockSpec((1, _RBLK, TOP_K), lambda b, i: (b, i, 0)),
        ],
        out_shape=[
            jax.ShapeDtypeStruct((B, L, TOP_K), jnp.int32),
            jax.ShapeDtypeStruct((B, L, TOP_K), jnp.int32),
        ],
        scratch_shapes=[pltpu.VMEM((_RBLK, L), jnp.float32)],
    )(X2, Xt, maskr)

    idx2d = flat.reshape(B * L * TOP_K // 128, 128)
    tab2d = table.reshape(B * L, 32)
    gathered = _gather_rows(idx2d, tab2d).reshape(B, L, TOP_K, 32)

    EB = _RES * TOP_K
    e_ids = np.arange(EB) // TOP_K
    rmat = (e_ids[:, None] == np.arange(_RES)[None, :]).astype(np.float32)
    mu = np.linspace(RBF_D_MIN, RBF_D_MAX, NUM_RBF).astype(np.float32)
    mu512 = np.zeros((1, _F), np.float32)
    src_idx = np.zeros(_F, np.int32)
    valid = np.zeros(_F, np.bool_)
    for q in range(_F):
        p = q % 32
        m = (q // 128) * 4 + (q % 128) // 32
        if p < _NPAIR:
            mu512[0, q] = mu[m]
            src_idx[q] = p * NUM_RBF + m
            valid[q] = True
    w2t = jnp.where(jnp.asarray(valid)[:, None],
                    W_edge.astype(f32)[:, NUM_POS:].T[jnp.asarray(src_idx)],
                    0.0)
    W_pos = W_pos.astype(f32)
    W_edge = W_edge.astype(f32)
    mpos = jnp.zeros((128, HIDDEN), f32).at[0:66].set(
        W_pos.T @ W_edge[:, :NUM_POS].T)
    bias1 = (W_edge[:, :NUM_POS] @ b_pos.astype(f32))[None, :]
    gam = gamma.astype(f32)[None, :]
    bet = beta.astype(f32)[None, :]

    nres = L // _RES
    wspec = lambda shape: pl.BlockSpec(shape, lambda b, i: tuple(0 for _ in shape))
    E = pl.pallas_call(
        _feat_body,
        grid=(B, nres),
        in_specs=[
            pl.BlockSpec((1, _RES, _FD), lambda b, i: (b, i, 0)),
            pl.BlockSpec((1, _RES, TOP_K, 32), lambda b, i: (b, i, 0, 0)),
            wspec((EB, _RES)),
            wspec((32, _FD)),
            wspec((1, _F)),
            wspec((128, HIDDEN)),
            wspec((_F, HIDDEN)),
            wspec((1, HIDDEN)),
            wspec((1, HIDDEN)),
            wspec((1, HIDDEN)),
        ],
        out_specs=pl.BlockSpec((1, _RES, TOP_K, HIDDEN),
                               lambda b, i: (b, i, 0, 0)),
        out_shape=jax.ShapeDtypeStruct((B, L, TOP_K, HIDDEN), f32),
    )(tabc, gathered, jnp.asarray(rmat, jnp.bfloat16), jnp.asarray(negmn, jnp.bfloat16), jnp.asarray(mu512),
      mpos, w2t, bias1, gam, bet)

    return eidx, E

# --- scband reference (transcript-rebuilt; emitter-appended) ---
"""Pipeline reference for scband-protein-features-41188736368931 (READ-ONLY COPY).

The authoritative reference and input builder live on the scoring server;
editing this copy changes nothing except your own understanding.
"""

import jax, jax.numpy as jnp
import numpy as np

NUM_RBF = 16
NUM_POS = 16
TOP_K = 48
HIDDEN = 128
MAX_REL = 32
_CB_A = -0.58273431
_CB_B = 0.56802827
_CB_C = -0.54067466
RBF_D_MIN = 2.0
RBF_D_MAX = 22.0


def _forward(X, residue_mask, R_idx, chain_labels, W_pos, b_pos, W_edge, gamma, beta):
    B, L = X.shape[0], X.shape[1]
    # virtual CB from backbone N, CA, C
    N = X[..., 0, :]
    CA4 = X[..., 1, :]
    C = X[..., 2, :]
    b = CA4 - N
    c = C - CA4
    a = jnp.cross(b, c, axis=-1)
    CB = (_CB_A * a + _CB_B * b + _CB_C * c + CA4)[..., None, :]
    atoms_5 = jnp.concatenate([X, CB], axis=-2)  # (B, L, 5, 3)
    # kNN over CA-CA distances
    CA = X[:, :, 1, :]
    k = min(TOP_K, L)
    diff = CA[:, :, None, :] - CA[:, None, :, :]
    dist_sq = jnp.sum(diff ** 2, axis=-1)
    inv_mask = 1.0 - residue_mask
    dist_sq = dist_sq + inv_mask[:, None, :] * 1000000.0
    _, E_idx = jax.lax.top_k(-dist_sq, k)  # smallest distances
    # 25 atom-pair RBF distance features
    X_flat = atoms_5.reshape(B, L, 15)
    idx_flat = E_idx.reshape(B, L * k)
    Xg = jnp.take_along_axis(X_flat, idx_flat[:, :, None], axis=1).reshape(B, L, k, 5, 3)
    D = jnp.sqrt(jnp.sum((atoms_5[:, :, None, :, None, :] - Xg[:, :, :, None, :, :]) ** 2, axis=-1) + 1e-06)
    mu = jnp.linspace(RBF_D_MIN, RBF_D_MAX, NUM_RBF).astype(D.dtype)
    sigma = (RBF_D_MAX - RBF_D_MIN) / NUM_RBF
    RBF_all = jnp.exp(-((D[..., None] - mu) ** 2) / (sigma ** 2)).reshape(B, L, k, 25 * NUM_RBF)
    # relative positional encodings gathered over kNN edges
    offset = R_idx[:, :, None] - R_idx[:, None, :]
    offset_g = jnp.take_along_axis(offset, E_idx, axis=2)
    d_chains = (chain_labels[:, :, None] == chain_labels[:, None, :]).astype(jnp.int32)
    e_chains = jnp.take_along_axis(d_chains, E_idx, axis=2)
    d = jnp.clip(offset_g + MAX_REL, 0, 2 * MAX_REL) * e_chains + (1 - e_chains) * (2 * MAX_REL + 1)
    d_onehot = jax.nn.one_hot(d, 2 * MAX_REL + 2, dtype=jnp.float32)
    pos_enc = d_onehot @ W_pos.T + b_pos
    # edge embedding + layer norm
    edge_input = jnp.concatenate([pos_enc, RBF_all], axis=-1)
    E_lin = edge_input @ W_edge.T
    mu_ln = jnp.mean(E_lin, axis=-1, keepdims=True)
    var_ln = jnp.mean((E_lin - mu_ln) ** 2, axis=-1, keepdims=True)
    E = (E_lin - mu_ln) / jnp.sqrt(var_ln + 1e-05) * gamma + beta
    return E_idx, E


def setup_inputs(seed: int = 0) -> dict:
    key = jax.random.key(seed)
    ks = jax.random.split(key, 6)
    B, L = 2, 1024
    X = jax.random.normal(ks[0], (B, L, 4, 3), dtype=jnp.float32)
    residue_mask = jnp.ones((B, L), dtype=jnp.float32)
    R_idx = jnp.arange(B * L).reshape(B, L)
    chain_labels = jax.random.randint(ks[1], (B, L), 0, 4)
    num_edge_in = 25 * NUM_RBF + NUM_POS
    W_pos = jax.random.normal(ks[2], (NUM_POS, 2 * MAX_REL + 2), dtype=jnp.float32) * 0.1
    b_pos = jnp.zeros((NUM_POS,), dtype=jnp.float32)
    W_edge = jax.random.normal(ks[3], (HIDDEN, num_edge_in), dtype=jnp.float32) * 0.05
    gamma = jnp.ones((HIDDEN,), dtype=jnp.float32)
    beta = jnp.zeros((HIDDEN,), dtype=jnp.float32)
    return {"X": X, "residue_mask": residue_mask, "R_idx": R_idx, "chain_labels": chain_labels, "W_pos": W_pos, "b_pos": b_pos, "W_edge": W_edge, "gamma": gamma, "beta": beta}


def reference(X, residue_mask, R_idx, chain_labels, W_pos, b_pos, W_edge, gamma, beta):
    E_idx, E = _forward(X, residue_mask, R_idx, chain_labels, W_pos, b_pos, W_edge, gamma, beta)
    return (E_idx, E)

if __name__ == "__main__":
    import jax
    _d = setup_inputs()
    print(jax.jit(kernel)(*tuple(_d.values())))

</pallas_src>

<mosaic_0001>
#map = affine_map<(d0, d1) -> (0, 0)>
#map1 = affine_map<(d0, d1) -> (0, 0, 0)>
module attributes {stable_mosaic.version = 14 : i64} {
  func.func @_gather_body(%arg0: i32, %arg1: i32, %arg2: memref<768x128xi32, #tpu.memory_space<hbm>>, %arg3: memref<2048x32xf32, #tpu.memory_space<hbm>>, %arg4: memref<768x128x32xf32, #tpu.memory_space<hbm>>, %arg5: memref<24x128xi32, #tpu.memory_space<vmem>>, %arg6: memref<24x128x32xf32, #tpu.memory_space<vmem>>, %arg7: memref<!tpu.dma_semaphore, #tpu.memory_space<semaphore_mem>>) attributes {dimension_semantics = [#tpu.dimension_semantics<core_parallel>, #tpu.dimension_semantics<subcore_parallel>], iteration_bounds = array<i64: 2, 16>, scalar_prefetch = 0 : i64, scratch_operands = 3 : i64, tpu.core_type = #tpu.core_type<sc_vector_subcore>, window_params = [{transform_indices = #map}, {transform_indices = #map}, {transform_indices = #map1}]} {
    %mul3A = arith.constant 2 : i32
    %mul3A_0 = arith.muli %arg1, %mul3A : i32
    %add3A = arith.addi %mul3A_0, %arg0 : i32
    %mul3A_1 = arith.constant 24 : i32
    %mul3A_2 = arith.muli %add3A, %mul3A_1 : i32
    "tpu.region"() ({
      %run_scoped3A = tpu.sem_alloc : memref<!tpu.dma_semaphore, #tpu.memory_space<semaphore_mem>>
      %dma_start3A = arith.constant 0 : i32
      %dma_start3A_14 = tpu.memref_slice %arg2[%mul3A_2, %dma_start3A] : memref<768x128xi32, #tpu.memory_space<hbm>> -> memref<24x128xi32, #tpu.memory_space<hbm>>
      %dma_start3A_15 = arith.constant 0 : i32
      %dma_start3A_16 = tpu.memref_slice %arg2[%mul3A_2, %dma_start3A_15] : memref<768x128xi32, #tpu.memory_space<hbm>> -> memref<24x128xi32, #tpu.memory_space<hbm>>
      tpu.enqueue_dma source(%dma_start3A_16 : memref<24x128xi32, #tpu.memory_space<hbm>>) target(%arg5 : memref<24x128xi32, #tpu.memory_space<vmem>>) target_semaphore(%run_scoped3A : memref<!tpu.dma_semaphore, #tpu.memory_space<semaphore_mem>>)
      %dma_wait3A = arith.constant 0 : i32
      %dma_wait3A_17 = tpu.memref_slice %arg2[%mul3A_2, %dma_wait3A] : memref<768x128xi32, #tpu.memory_space<hbm>> -> memref<24x128xi32, #tpu.memory_space<hbm>>
      %dma_wait3A_18 = arith.constant 0 : i32
      %dma_wait3A_19 = tpu.memref_slice %arg2[%mul3A_2, %dma_wait3A_18] : memref<768x128xi32, #tpu.memory_space<hbm>> -> memref<24x128xi32, #tpu.memory_space<hbm>>
      tpu.wait_dma2 semaphore(%run_scoped3A : memref<!tpu.dma_semaphore, #tpu.memory_space<semaphore_mem>>) src(%dma_wait3A_19 : memref<24x128xi32, #tpu.memory_space<hbm>>) dst(%arg5 : memref<24x128xi32, #tpu.memory_space<vmem>>)
      tpu.yield
    }) : () -> ()
    %scan3A = arith.constant 0 : i32
    %scan3A_3 = arith.constant 0 : i32
    %scan3A_4 = arith.constant 24 : i32
    %scan3A_5 = arith.addi %scan3A_3, %scan3A_4 : i32
    %scan3A_6 = arith.constant 1 : i32
    scf.for %scan3A_14 = %scan3A_3 to %scan3A_5 step %scan3A_6  : i32 {
      %dma_start3A = arith.constant 0 : i32
      %dma_start3A_15 = arith.constant 0 : i32
      %dma_start3A_16 = tpu.memref_slice %arg6[%scan3A_14, %dma_start3A, %dma_start3A_15] : memref<24x128x32xf32, #tpu.memory_space<vmem>> -> memref<1x128x32xf32, #tpu.memory_space<vmem>>
      %dma_start3A_17 = tpu.memref_squeeze %dma_start3A_16 : memref<1x128x32xf32, #tpu.memory_space<vmem>> -> memref<128x32xf32, #tpu.memory_space<vmem>>
      %dma_start3A_18 = arith.constant 0 : i32
      %dma_start3A_19 = tpu.memref_slice %arg5[%scan3A_14, %dma_start3A_18] : memref<24x128xi32, #tpu.memory_space<vmem>> -> memref<1x128xi32, #tpu.memory_space<vmem>>
      %dma_start3A_20 = tpu.memref_squeeze %dma_start3A_19 : memref<1x128xi32, #tpu.memory_space<vmem>> -> memref<128xi32, #tpu.memory_space<vmem>>
      %dma_start3A_21 = arith.constant 0 : i32
      %dma_start3A_22 = arith.constant 0 : i32
      %dma_start3A_23 = tpu.memref_slice %arg3[%dma_start3A_21, %dma_start3A_22] : memref<2048x32xf32, #tpu.memory_space<hbm>> -> memref<2048x32xf32, #tpu.memory_space<hbm>>
      tpu.enqueue_indirect_dma source(%dma_start3A_23 : memref<2048x32xf32, #tpu.memory_space<hbm>>) target(%dma_start3A_17 : memref<128x32xf32, #tpu.memory_space<vmem>>) offsets(%dma_start3A_20 : memref<128xi32, #tpu.memory_space<vmem>>) semaphore(%arg7 : memref<!tpu.dma_semaphore, #tpu.memory_space<semaphore_mem>>)
    }
    %scan3A_7 = arith.constant 24 : i32
    %scan3A_8 = arith.constant 0 : i32
    %scan3A_9 = arith.constant 0 : i32
    %scan3A_10 = arith.constant 24 : i32
    %scan3A_11 = arith.addi %scan3A_9, %scan3A_10 : i32
    %scan3A_12 = arith.constant 1 : i32
    scf.for %scan3A_14 = %scan3A_9 to %scan3A_11 step %scan3A_12  : i32 {
      %dma_wait3A = arith.constant 0 : i32
      %dma_wait3A_15 = arith.constant 0 : i32
      %dma_wait3A_16 = tpu.memref_slice %arg6[%scan3A_14, %dma_wait3A, %dma_wait3A_15] : memref<24x128x32xf32, #tpu.memory_space<vmem>> -> memref<1x128x32xf32, #tpu.memory_space<vmem>>
      %dma_wait3A_17 = tpu.memref_squeeze %dma_wait3A_16 : memref<1x128x32xf32, #tpu.memory_space<vmem>> -> memref<128x32xf32, #tpu.memory_space<vmem>>
      %dma_wait3A_18 = arith.constant 0 : i32
      %dma_wait3A_19 = tpu.memref_slice %arg5[%scan3A_14, %dma_wait3A_18] : memref<24x128xi32, #tpu.memory_space<vmem>> -> memref<1x128xi32, #tpu.memory_space<vmem>>
      %dma_wait3A_20 = tpu.memref_squeeze %dma_wait3A_19 : memref<1x128xi32, #tpu.memory_space<vmem>> -> memref<128xi32, #tpu.memory_space<vmem>>
      %dma_wait3A_21 = arith.constant 0 : i32
      %dma_wait3A_22 = arith.constant 0 : i32
      %dma_wait3A_23 = tpu.memref_slice %arg3[%dma_wait3A_21, %dma_wait3A_22] : memref<2048x32xf32, #tpu.memory_space<hbm>> -> memref<2048x32xf32, #tpu.memory_space<hbm>>
      tpu.wait_indirect_dma semaphore(%arg7 : memref<!tpu.dma_semaphore, #tpu.memory_space<semaphore_mem>>) src(%dma_wait3A_23 : memref<2048x32xf32, #tpu.memory_space<hbm>>) dst(%dma_wait3A_17 : memref<128x32xf32, #tpu.memory_space<vmem>>)
    }
    %scan3A_13 = arith.constant 24 : i32
    "tpu.region"() ({
      %run_scoped3A = tpu.sem_alloc : memref<!tpu.dma_semaphore, #tpu.memory_space<semaphore_mem>>
      %dma_start3A = arith.constant 0 : i32
      %dma_start3A_14 = arith.constant 0 : i32
      %dma_start3A_15 = tpu.memref_slice %arg4[%mul3A_2, %dma_start3A, %dma_start3A_14] : memref<768x128x32xf32, #tpu.memory_space<hbm>> -> memref<24x128x32xf32, #tpu.memory_space<hbm>>
      %dma_start3A_16 = arith.constant 0 : i32
      %dma_start3A_17 = arith.constant 0 : i32
      %dma_start3A_18 = tpu.memref_slice %arg4[%mul3A_2, %dma_start3A_16, %dma_start3A_17] : memref<768x128x32xf32, #tpu.memory_space<hbm>> -> memref<24x128x32xf32, #tpu.memory_space<hbm>>
      tpu.enqueue_dma source(%arg6 : memref<24x128x32xf32, #tpu.memory_space<vmem>>) target(%dma_start3A_18 : memref<24x128x32xf32, #tpu.memory_space<hbm>>) target_semaphore(%run_scoped3A : memref<!tpu.dma_semaphore, #tpu.memory_space<semaphore_mem>>)
      %dma_wait3A = arith.constant 0 : i32
      %dma_wait3A_19 = arith.constant 0 : i32
      %dma_wait3A_20 = tpu.memref_slice %arg4[%mul3A_2, %dma_wait3A, %dma_wait3A_19] : memref<768x128x32xf32, #tpu.memory_space<hbm>> -> memref<24x128x32xf32, #tpu.memory_space<hbm>>
      %dma_wait3A_21 = arith.constant 0 : i32
      %dma_wait3A_22 = arith.constant 0 : i32
      %dma_wait3A_23 = tpu.memref_slice %arg4[%mul3A_2, %dma_wait3A_21, %dma_wait3A_22] : memref<768x128x32xf32, #tpu.memory_space<hbm>> -> memref<24x128x32xf32, #tpu.memory_space<hbm>>
      tpu.wait_dma2 semaphore(%run_scoped3A : memref<!tpu.dma_semaphore, #tpu.memory_space<semaphore_mem>>) src(%arg6 : memref<24x128x32xf32, #tpu.memory_space<vmem>>) dst(%dma_wait3A_23 : memref<24x128x32xf32, #tpu.memory_space<hbm>>)
      tpu.yield
    }) : () -> ()
    return
  }
}

module attributes {stable_mosaic.version = 14 : i64} {
  func.func @_topk_body(%arg0: i32, %arg1: i32, %arg2: memref<1x256x12xf32, #tpu.memory_space<vmem>>, %arg3: memref<1x12x1024xf32, #tpu.memory_space<vmem>>, %arg4: memref<1x1x1024xf32, #tpu.memory_space<vmem>>, %arg5: memref<1x256x48xi32, #tpu.memory_space<vmem>>, %arg6: memref<1x256x48xi32, #tpu.memory_space<vmem>>, %arg7: memref<256x1024xf32, #tpu.memory_space<vmem>>) attributes {dimension_semantics = [#tpu.dimension_semantics<arbitrary>, #tpu.dimension_semantics<arbitrary>], iteration_bounds = array<i64: 2, 4>, scalar_prefetch = 0 : i64, scratch_operands = 1 : i64, tpu.core_type = #tpu.core_type<tc>, window_params = [{transform_indices = @transform_0, window_bounds = array<i64: 1, 256, 12>}, {transform_indices = @transform_1, window_bounds = array<i64: 1, 12, 1024>}, {transform_indices = @transform_2, window_bounds = array<i64: 1, 1, 1024>}, {transform_indices = @transform_3, window_bounds = array<i64: 1, 256, 48>}, {transform_indices = @transform_4, window_bounds = array<i64: 1, 256, 48>}]} {
    %get3A = arith.constant 0 : index
    %get3A_0 = arith.constant 0 : index
    %get3A_1 = arith.constant 0 : index
    %get3A_2 = vector.load %arg2[%get3A, %get3A_0, %get3A_1] : memref<1x256x12xf32, #tpu.memory_space<vmem>>, vector<1x256x12xf32>
    %get3A_3 = vector.shape_cast %get3A_2 : vector<1x256x12xf32> to vector<256x12xf32>
    %get3A_4 = arith.constant 0 : index
    %get3A_5 = arith.constant 0 : index
    %get3A_6 = arith.constant 0 : index
    %get3A_7 = vector.load %arg3[%get3A_4, %get3A_5, %get3A_6] : memref<1x12x1024xf32, #tpu.memory_space<vmem>>, vector<1x12x1024xf32>
    %get3A_8 = vector.shape_cast %get3A_7 : vector<1x12x1024xf32> to vector<12x1024xf32>
    %get3A_9 = arith.constant 0 : index
    %get3A_10 = arith.constant 0 : index
    %get3A_11 = arith.constant 0 : index
    %get3A_12 = vector.load %arg4[%get3A_9, %get3A_10, %get3A_11] : memref<1x1x1024xf32, #tpu.memory_space<vmem>>, vector<1x1x1024xf32>
    %get3A_13 = vector.shape_cast %get3A_12 : vector<1x1x1024xf32> to vector<1x1024xf32>
    %slice3A = vector.extract_strided_slice %get3A_3 {offsets = [0, 3], sizes = [256, 1], strides = [1, 1]} : vector<256x12xf32> to vector<256x1xf32>
    %slice3A_14 = vector.extract_strided_slice %get3A_8 {offsets = [3, 0], sizes = [1, 1024], strides = [1, 1]} : vector<12x1024xf32> to vector<1x1024xf32>
    %sub3A = vector.broadcast %slice3A : vector<256x1xf32> to vector<256x1024xf32>
    %sub3A_15 = vector.broadcast %slice3A_14 : vector<1x1024xf32> to vector<256x1024xf32>
    %sub3A_16 = arith.subf %sub3A, %sub3A_15 : vector<256x1024xf32>
    %slice3A_17 = vector.extract_strided_slice %get3A_3 {offsets = [0, 4], sizes = [256, 1], strides = [1, 1]} : vector<256x12xf32> to vector<256x1xf32>
    %slice3A_18 = vector.extract_strided_slice %get3A_8 {offsets = [4, 0], sizes = [1, 1024], strides = [1, 1]} : vector<12x1024xf32> to vector<1x1024xf32>
    %sub3A_19 = vector.broadcast %slice3A_17 : vector<256x1xf32> to vector<256x1024xf32>
    %sub3A_20 = vector.broadcast %slice3A_18 : vector<1x1024xf32> to vector<256x1024xf32>
    %sub3A_21 = arith.subf %sub3A_19, %sub3A_20 : vector<256x1024xf32>
    %slice3A_22 = vector.extract_strided_slice %get3A_3 {offsets = [0, 5], sizes = [256, 1], strides = [1, 1]} : vector<256x12xf32> to vector<256x1xf32>
    %slice3A_23 = vector.extract_strided_slice %get3A_8 {offsets = [5, 0], sizes = [1, 1024], strides = [1, 1]} : vector<12x1024xf32> to vector<1x1024xf32>
    %sub3A_24 = vector.broadcast %slice3A_22 : vector<256x1xf32> to vector<256x1024xf32>
    %sub3A_25 = vector.broadcast %slice3A_23 : vector<1x1024xf32> to vector<256x1024xf32>
    %sub3A_26 = arith.subf %sub3A_24, %sub3A_25 : vector<256x1024xf32>
    %mul3A = arith.mulf %sub3A_16, %sub3A_16 : vector<256x1024xf32>
    %mul3A_27 = arith.mulf %sub3A_21, %sub3A_21 : vector<256x1024xf32>
    %add3A = arith.addf %mul3A, %mul3A_27 : vector<256x1024xf32>
    %mul3A_28 = arith.mulf %sub3A_26, %sub3A_26 : vector<256x1024xf32>
    %add3A_29 = arith.addf %add3A, %mul3A_28 : vector<256x1024xf32>
    %sub3A_30 = arith.constant 1.000000e+00 : f32
    %sub3A_31 = vector.broadcast %sub3A_30 : f32 to vector<1x1024xf32>
    %sub3A_32 = arith.subf %sub3A_31, %get3A_13 : vector<1x1024xf32>
    %mul3A_33 = arith.constant 1.000000e+06 : f32
    %mul3A_34 = vector.broadcast %mul3A_33 : f32 to vector<1x1024xf32>
    %mul3A_35 = arith.mulf %sub3A_32, %mul3A_34 : vector<1x1024xf32>
    %add3A_36 = vector.broadcast %mul3A_35 : vector<1x1024xf32> to vector<256x1024xf32>
    %add3A_37 = arith.addf %add3A_29, %add3A_36 : vector<256x1024xf32>
    %swap3A = arith.constant 0 : index
    %swap3A_38 = arith.constant 0 : index
    %swap3A_39 = vector.load %arg7[%swap3A, %swap3A_38] : memref<256x1024xf32, #tpu.memory_space<vmem>>, vector<256x1024xf32>
    tpu.vector_store %arg7[%swap3A, %swap3A_38], %add3A_37 {strides = array<i32>} : memref<256x1024xf32, #tpu.memory_space<vmem>>, vector<256x1024xf32>,
    %iota3A = tpu.iota {dimensions = array<i32: 1>} : vector<256x48xi32>
    %broadcast_in_dim3A = arith.constant 0 : i32
    %broadcast_in_dim3A_40 = vector.broadcast %broadcast_in_dim3A : i32 to vector<256x48xi32>
    %scan3A = arith.constant 0 : i32
    %scan3A_41 = arith.constant 48 : i32
    %scan3A_42 = arith.addi %scan3A, %scan3A_41 : i32
    %scan3A_43 = arith.constant 1 : i32
    %scan3A_44 = scf.for %scan3A_62 = %scan3A to %scan3A_42 step %scan3A_43 iter_args(%scan3A_63 = %broadcast_in_dim3A_40) -> (vector<256x48xi32>)  : i32 {
      %get3A_64 = arith.constant 0 : index
      %get3A_65 = arith.constant 0 : index
      %get3A_66 = vector.load %arg7[%get3A_64, %get3A_65] : memref<256x1024xf32, #tpu.memory_space<vmem>>, vector<256x1024xf32>
      %iota3A_67 = tpu.iota {dimensions = array<i32: 1>} : vector<256x1024xi32>
      %reduce_min3A = arith.constant dense<0x7F800000> : vector<256xf32>
      %reduce_min3A_68 = vector.multi_reduction <minimumf>, %get3A_66, %reduce_min3A [1] : vector<256x1024xf32> to vector<256xf32>
      %broadcast_in_dim3A_69 = vector.shape_cast %reduce_min3A_68 : vector<256xf32> to vector<256x1xf32>
      %eq3A = vector.broadcast %broadcast_in_dim3A_69 : vector<256x1xf32> to vector<256x1024xf32>
      %eq3A_70 = arith.cmpf oeq, %get3A_66, %eq3A : vector<256x1024xf32>
      %jit3A = arith.constant 1073741824 : i32
      %broadcast_in_dim3A_71 = vector.broadcast %jit3A : i32 to vector<256x1024xi32>
      %select_n3A = arith.select %eq3A_70, %iota3A_67, %broadcast_in_dim3A_71 : vector<256x1024xi1>, vector<256x1024xi32>
      %reduce_min3A_72 = arith.constant dense<2147483647> : vector<256xi32>
      %reduce_min3A_73 = vector.multi_reduction <minsi>, %select_n3A, %reduce_min3A_72 [1] : vector<256x1024xi32> to vector<256xi32>
      %broadcast_in_dim3A_74 = vector.shape_cast %reduce_min3A_73 : vector<256xi32> to vector<256x1xi32>
      %eq3A_75 = vector.broadcast %scan3A_62 : i32 to vector<256x48xi32>
      %eq3A_76 = arith.cmpi eq, %iota3A, %eq3A_75 : vector<256x48xi32>
      %broadcast_in_dim3A_77 = vector.shape_cast %broadcast_in_dim3A_74 : vector<256x1xi32> to vector<256x1xi32>
      %broadcast_in_dim3A_78 = vector.broadcast %broadcast_in_dim3A_77 : vector<256x1xi32> to vector<256x48xi32>
      %select_n3A_79 = arith.select %eq3A_76, %broadcast_in_dim3A_78, %scan3A_63 : vector<256x48xi1>, vector<256x48xi32>
      %eq3A_80 = vector.broadcast %broadcast_in_dim3A_74 : vector<256x1xi32> to vector<256x1024xi32>
      %eq3A_81 = arith.cmpi eq, %iota3A_67, %eq3A_80 : vector<256x1024xi32>
      %jit3A_82 = arith.constant 1.000000e+30 : f32
      %broadcast_in_dim3A_83 = vector.broadcast %jit3A_82 : f32 to vector<256x1024xf32>
      %select_n3A_84 = arith.select %eq3A_81, %broadcast_in_dim3A_83, %get3A_66 : vector<256x1024xi1>, vector<256x1024xf32>
      %swap3A_85 = arith.constant 0 : index
      %swap3A_86 = arith.constant 0 : index
      %swap3A_87 = vector.load %arg7[%swap3A_85, %swap3A_86] : memref<256x1024xf32, #tpu.memory_space<vmem>>, vector<256x1024xf32>
      tpu.vector_store %arg7[%swap3A_85, %swap3A_86], %select_n3A_84 {strides = array<i32>} : memref<256x1024xf32, #tpu.memory_space<vmem>>, vector<256x1024xf32>,
      scf.yield %select_n3A_79 : vector<256x48xi32>
    }
    %scan3A_45 = arith.constant 48 : i32
    %swap3A_46 = arith.constant 0 : index
    %swap3A_47 = arith.constant 0 : index
    %swap3A_48 = arith.constant 0 : index
    %swap3A_49 = vector.load %arg5[%swap3A_46, %swap3A_47, %swap3A_48] : memref<1x256x48xi32, #tpu.memory_space<vmem>>, vector<1x256x48xi32>
    %swap3A_50 = vector.shape_cast %swap3A_49 : vector<1x256x48xi32> to vector<256x48xi32>
    %swap3A_51 = vector.shape_cast %scan3A_44 : vector<256x48xi32> to vector<1x256x48xi32>
    tpu.vector_store %arg5[%swap3A_46, %swap3A_47, %swap3A_48], %swap3A_51 {strides = array<i32>} : memref<1x256x48xi32, #tpu.memory_space<vmem>>, vector<1x256x48xi32>,
    %mul3A_52 = arith.constant 1024 : i32
    %mul3A_53 = arith.muli %arg0, %mul3A_52 : i32
    %add3A_54 = vector.broadcast %mul3A_53 : i32 to vector<256x48xi32>
    %add3A_55 = arith.addi %scan3A_44, %add3A_54 : vector<256x48xi32>
    %swap3A_56 = arith.constant 0 : index
    %swap3A_57 = arith.constant 0 : index
    %swap3A_58 = arith.constant 0 : index
    %swap3A_59 = vector.load %arg6[%swap3A_56, %swap3A_57, %swap3A_58] : memref<1x256x48xi32, #tpu.memory_space<vmem>>, vector<1x256x48xi32>
    %swap3A_60 = vector.shape_cast %swap3A_59 : vector<1x256x48xi32> to vector<256x48xi32>
    %swap3A_61 = vector.shape_cast %add3A_55 : vector<256x48xi32> to vector<1x256x48xi32>
    tpu.vector_store %arg6[%swap3A_56, %swap3A_57, %swap3A_58], %swap3A_61 {strides = array<i32>} : memref<1x256x48xi32, #tpu.memory_space<vmem>>, vector<1x256x48xi32>,
    return
  }
  func.func @transform_0(%arg0: i32, %arg1: i32) -> (i32, i32, i32) {
    %c0_i32 = arith.constant 0 : i32
    %c0_i32_0 = arith.constant 0 : i32
    return %arg0, %arg1, %c0_i32 : i32, i32, i32
  }
  func.func @transform_1(%arg0: i32, %arg1: i32) -> (i32, i32, i32) {
    %c0_i32 = arith.constant 0 : i32
    %c0_i32_0 = arith.constant 0 : i32
    %c0_i32_1 = arith.constant 0 : i32
    return %arg0, %c0_i32, %c0_i32_0 : i32, i32, i32
  }
  func.func @transform_2(%arg0: i32, %arg1: i32) -> (i32, i32, i32) {
    %c0_i32 = arith.constant 0 : i32
    %c0_i32_0 = arith.constant 0 : i32
    %c0_i32_1 = arith.constant 0 : i32
    return %arg0, %c0_i32, %c0_i32_0 : i32, i32, i32
  }
  func.func @transform_3(%arg0: i32, %arg1: i32) -> (i32, i32, i32) {
    %c0_i32 = arith.constant 0 : i32
    %c0_i32_0 = arith.constant 0 : i32
    return %arg0, %arg1, %c0_i32 : i32, i32, i32
  }
  func.func @transform_4(%arg0: i32, %arg1: i32) -> (i32, i32, i32) {
    %c0_i32 = arith.constant 0 : i32
    %c0_i32_0 = arith.constant 0 : i32
    return %arg0, %arg1, %c0_i32 : i32, i32, i32
  }
}

module attributes {stable_mosaic.version = 14 : i64} {
  func.func @_prep_body(%arg0: i32, %arg1: memref<1x1024x14xf32, #tpu.memory_space<vmem>>, %arg2: memref<17x384xf32, #tpu.memory_space<vmem>>, %arg3: memref<1x1024x32xf32, #tpu.memory_space<vmem>>, %arg4: memref<1x1024x384xf32, #tpu.memory_space<vmem>>) attributes {dimension_semantics = [#tpu.dimension_semantics<arbitrary>], iteration_bounds = array<i64: 2>, scalar_prefetch = 0 : i64, scratch_operands = 0 : i64, tpu.core_type = #tpu.core_type<tc>, window_params = [{transform_indices = @transform_0, window_bounds = array<i64: 1, 1024, 14>}, {pipeline_mode = #tpu.pipeline_mode<synchronous>, transform_indices = @transform_1, window_bounds = array<i64: 17, 384>}, {transform_indices = @transform_2, window_bounds = array<i64: 1, 1024, 32>}, {transform_indices = @transform_3, window_bounds = array<i64: 1, 1024, 384>}]} {
    %get3A = arith.constant 0 : index
    %get3A_0 = arith.constant 0 : index
    %get3A_1 = arith.constant 0 : index
    %get3A_2 = vector.load %arg1[%get3A, %get3A_0, %get3A_1] : memref<1x1024x14xf32, #tpu.memory_space<vmem>>, vector<1x1024x14xf32>
    %get3A_3 = vector.shape_cast %get3A_2 : vector<1x1024x14xf32> to vector<1024x14xf32>
    %slice3A = vector.extract_strided_slice %get3A_3 {offsets = [0, 3], sizes = [1024, 1], strides = [1, 1]} : vector<1024x14xf32> to vector<1024x1xf32>
    %slice3A_4 = vector.extract_strided_slice %get3A_3 {offsets = [0, 0], sizes = [1024, 1], strides = [1, 1]} : vector<1024x14xf32> to vector<1024x1xf32>
    %sub3A = arith.subf %slice3A, %slice3A_4 : vector<1024x1xf32>
    %slice3A_5 = vector.extract_strided_slice %get3A_3 {offsets = [0, 4], sizes = [1024, 1], strides = [1, 1]} : vector<1024x14xf32> to vector<1024x1xf32>
    %slice3A_6 = vector.extract_strided_slice %get3A_3 {offsets = [0, 1], sizes = [1024, 1], strides = [1, 1]} : vector<1024x14xf32> to vector<1024x1xf32>
    %sub3A_7 = arith.subf %slice3A_5, %slice3A_6 : vector<1024x1xf32>
    %slice3A_8 = vector.extract_strided_slice %get3A_3 {offsets = [0, 5], sizes = [1024, 1], strides = [1, 1]} : vector<1024x14xf32> to vector<1024x1xf32>
    %slice3A_9 = vector.extract_strided_slice %get3A_3 {offsets = [0, 2], sizes = [1024, 1], strides = [1, 1]} : vector<1024x14xf32> to vector<1024x1xf32>
    %sub3A_10 = arith.subf %slice3A_8, %slice3A_9 : vector<1024x1xf32>
    %slice3A_11 = vector.extract_strided_slice %get3A_3 {offsets = [0, 6], sizes = [1024, 1], strides = [1, 1]} : vector<1024x14xf32> to vector<1024x1xf32>
    %slice3A_12 = vector.extract_strided_slice %get3A_3 {offsets = [0, 3], sizes = [1024, 1], strides = [1, 1]} : vector<1024x14xf32> to vector<1024x1xf32>
    %sub3A_13 = arith.subf %slice3A_11, %slice3A_12 : vector<1024x1xf32>
    %slice3A_14 = vector.extract_strided_slice %get3A_3 {offsets = [0, 7], sizes = [1024, 1], strides = [1, 1]} : vector<1024x14xf32> to vector<1024x1xf32>
    %slice3A_15 = vector.extract_strided_slice %get3A_3 {offsets = [0, 4], sizes = [1024, 1], strides = [1, 1]} : vector<1024x14xf32> to vector<1024x1xf32>
    %sub3A_16 = arith.subf %slice3A_14, %slice3A_15 : vector<1024x1xf32>
    %slice3A_17 = vector.extract_strided_slice %get3A_3 {offsets = [0, 8], sizes = [1024, 1], strides = [1, 1]} : vector<1024x14xf32> to vector<1024x1xf32>
    %slice3A_18 = vector.extract_strided_slice %get3A_3 {offsets = [0, 5], sizes = [1024, 1], strides = [1, 1]} : vector<1024x14xf32> to vector<1024x1xf32>
    %sub3A_19 = arith.subf %slice3A_17, %slice3A_18 : vector<1024x1xf32>
    %mul3A = arith.mulf %sub3A_7, %sub3A_19 : vector<1024x1xf32>
    %mul3A_20 = arith.mulf %sub3A_10, %sub3A_16 : vector<1024x1xf32>
    %sub3A_21 = arith.subf %mul3A, %mul3A_20 : vector<1024x1xf32>
    %mul3A_22 = arith.mulf %sub3A_10, %sub3A_13 : vector<1024x1xf32>
    %mul3A_23 = arith.mulf %sub3A, %sub3A_19 : vector<1024x1xf32>
    %sub3A_24 = arith.subf %mul3A_22, %mul3A_23 : vector<1024x1xf32>
    %mul3A_25 = arith.mulf %sub3A, %sub3A_16 : vector<1024x1xf32>
    %mul3A_26 = arith.mulf %sub3A_7, %sub3A_13 : vector<1024x1xf32>
    %sub3A_27 = arith.subf %mul3A_25, %mul3A_26 : vector<1024x1xf32>
    %mul3A_28 = arith.constant -0.582734287 : f32
    %mul3A_29 = vector.broadcast %mul3A_28 : f32 to vector<1024x1xf32>
    %mul3A_30 = arith.mulf %mul3A_29, %sub3A_21 : vector<1024x1xf32>
    %mul3A_31 = arith.constant 0.568028271 : f32
    %mul3A_32 = vector.broadcast %mul3A_31 : f32 to vector<1024x1xf32>
    %mul3A_33 = arith.mulf %mul3A_32, %sub3A : vector<1024x1xf32>
    %add3A = arith.addf %mul3A_30, %mul3A_33 : vector<1024x1xf32>
    %mul3A_34 = arith.constant -0.540674686 : f32
    %mul3A_35 = vector.broadcast %mul3A_34 : f32 to vector<1024x1xf32>
    %mul3A_36 = arith.mulf %mul3A_35, %sub3A_13 : vector<1024x1xf32>
    %add3A_37 = arith.addf %add3A, %mul3A_36 : vector<1024x1xf32>
    %slice3A_38 = vector.extract_strided_slice %get3A_3 {offsets = [0, 3], sizes = [1024, 1], strides = [1, 1]} : vector<1024x14xf32> to vector<1024x1xf32>
    %add3A_39 = arith.addf %add3A_37, %slice3A_38 : vector<1024x1xf32>
    %mul3A_40 = arith.constant -0.582734287 : f32
    %mul3A_41 = vector.broadcast %mul3A_40 : f32 to vector<1024x1xf32>
    %mul3A_42 = arith.mulf %mul3A_41, %sub3A_24 : vector<1024x1xf32>
    %mul3A_43 = arith.constant 0.568028271 : f32
    %mul3A_44 = vector.broadcast %mul3A_43 : f32 to vector<1024x1xf32>
    %mul3A_45 = arith.mulf %mul3A_44, %sub3A_7 : vector<1024x1xf32>
    %add3A_46 = arith.addf %mul3A_42, %mul3A_45 : vector<1024x1xf32>
    %mul3A_47 = arith.constant -0.540674686 : f32
    %mul3A_48 = vector.broadcast %mul3A_47 : f32 to vector<1024x1xf32>
    %mul3A_49 = arith.mulf %mul3A_48, %sub3A_16 : vector<1024x1xf32>
    %add3A_50 = arith.addf %add3A_46, %mul3A_49 : vector<1024x1xf32>
    %slice3A_51 = vector.extract_strided_slice %get3A_3 {offsets = [0, 4], sizes = [1024, 1], strides = [1, 1]} : vector<1024x14xf32> to vector<1024x1xf32>
    %add3A_52 = arith.addf %add3A_50, %slice3A_51 : vector<1024x1xf32>
    %mul3A_53 = arith.constant -0.582734287 : f32
    %mul3A_54 = vector.broadcast %mul3A_53 : f32 to vector<1024x1xf32>
    %mul3A_55 = arith.mulf %mul3A_54, %sub3A_27 : vector<1024x1xf32>
    %mul3A_56 = arith.constant 0.568028271 : f32
    %mul3A_57 = vector.broadcast %mul3A_56 : f32 to vector<1024x1xf32>
    %mul3A_58 = arith.mulf %mul3A_57, %sub3A_10 : vector<1024x1xf32>
    %add3A_59 = arith.addf %mul3A_55, %mul3A_58 : vector<1024x1xf32>
    %mul3A_60 = arith.constant -0.540674686 : f32
    %mul3A_61 = vector.broadcast %mul3A_60 : f32 to vector<1024x1xf32>
    %mul3A_62 = arith.mulf %mul3A_61, %sub3A_19 : vector<1024x1xf32>
    %add3A_63 = arith.addf %add3A_59, %mul3A_62 : vector<1024x1xf32>
    %slice3A_64 = vector.extract_strided_slice %get3A_3 {offsets = [0, 5], sizes = [1024, 1], strides = [1, 1]} : vector<1024x14xf32> to vector<1024x1xf32>
    %add3A_65 = arith.addf %add3A_63, %slice3A_64 : vector<1024x1xf32>
    %broadcast_in_dim3A = arith.constant 0.000000e+00 : f32
    %broadcast_in_dim3A_66 = vector.broadcast %broadcast_in_dim3A : f32 to vector<1024x15xf32>
    %slice3A_67 = vector.extract_strided_slice %get3A_3 {offsets = [0, 0], sizes = [1024, 12], strides = [1, 1]} : vector<1024x14xf32> to vector<1024x12xf32>
    %slice3A_68 = vector.extract_strided_slice %get3A_3 {offsets = [0, 12], sizes = [1024, 1], strides = [1, 1]} : vector<1024x14xf32> to vector<1024x1xf32>
    %slice3A_69 = vector.extract_strided_slice %get3A_3 {offsets = [0, 13], sizes = [1024, 1], strides = [1, 1]} : vector<1024x14xf32> to vector<1024x1xf32>
    %concatenate3A = tpu.concatenate %slice3A_67, %add3A_39, %add3A_52, %add3A_65, %slice3A_68, %slice3A_69 in 1 : vector<1024x12xf32>, vector<1024x1xf32>, vector<1024x1xf32>, vector<1024x1xf32>, vector<1024x1xf32>, vector<1024x1xf32> -> vector<1024x17xf32>
    %concatenate3A_70 = tpu.concatenate %concatenate3A, %broadcast_in_dim3A_66 in 1 : vector<1024x17xf32>, vector<1024x15xf32> -> vector<1024x32xf32>
    %swap3A = arith.constant 0 : index
    %swap3A_71 = arith.constant 0 : index
    %swap3A_72 = arith.constant 0 : index
    %swap3A_73 = vector.load %arg3[%swap3A, %swap3A_71, %swap3A_72] : memref<1x1024x32xf32, #tpu.memory_space<vmem>>, vector<1x1024x32xf32>
    %swap3A_74 = vector.shape_cast %swap3A_73 : vector<1x1024x32xf32> to vector<1024x32xf32>
    %swap3A_75 = vector.shape_cast %concatenate3A_70 : vector<1024x32xf32> to vector<1x1024x32xf32>
    tpu.vector_store %arg3[%swap3A, %swap3A_71, %swap3A_72], %swap3A_75 {strides = array<i32>} : memref<1x1024x32xf32, #tpu.memory_space<vmem>>, vector<1x1024x32xf32>,
    %get3A_76 = arith.constant 0 : index
    %get3A_77 = arith.constant 0 : index
    %get3A_78 = vector.load %arg2[%get3A_76, %get3A_77] : memref<17x384xf32, #tpu.memory_space<vmem>>, vector<17x384xf32>
    %dot_general3A = arith.constant dense<0.000000e+00> : vector<1024x384xf32>
    %dot_general3A_79 = tpu.matmul %concatenate3A, %get3A_78, %dot_general3A {dimension_numbers = #tpu.dot_dimension_numbers<[1], [0], [0], [1], [0, 0, 1, 1], [], []>, precision = #tpu.contract_precision<fp32>, transpose_lhs_hint = false} : vector<1024x17xf32>, vector<17x384xf32>, vector<1024x384xf32> -> vector<1024x384xf32>
    %swap3A_80 = arith.constant 0 : index
    %swap3A_81 = arith.constant 0 : index
    %swap3A_82 = arith.constant 0 : index
    %swap3A_83 = vector.load %arg4[%swap3A_80, %swap3A_81, %swap3A_82] : memref<1x1024x384xf32, #tpu.memory_space<vmem>>, vector<1x1024x384xf32>
    %swap3A_84 = vector.shape_cast %swap3A_83 : vector<1x1024x384xf32> to vector<1024x384xf32>
    %swap3A_85 = vector.shape_cast %dot_general3A_79 : vector<1024x384xf32> to vector<1x1024x384xf32>
    tpu.vector_store %arg4[%swap3A_80, %swap3A_81, %swap3A_82], %swap3A_85 {strides = array<i32>} : memref<1x1024x384xf32, #tpu.memory_space<vmem>>, vector<1x1024x384xf32>,
    return
  }
  func.func @transform_0(%arg0: i32) -> (i32, i32, i32) {
    %c0_i32 = arith.constant 0 : i32
    %c0_i32_0 = arith.constant 0 : i32
    %c0_i32_1 = arith.constant 0 : i32
    return %arg0, %c0_i32, %c0_i32_0 : i32, i32, i32
  }
  func.func @transform_1(%arg0: i32) -> (i32, i32) {
    %c0_i32 = arith.constant 0 : i32
    %c0_i32_0 = arith.constant 0 : i32
    %c0_i32_1 = arith.constant 0 : i32
    return %c0_i32, %c0_i32_0 : i32, i32
  }
  func.func @transform_2(%arg0: i32) -> (i32, i32, i32) {
    %c0_i32 = arith.constant 0 : i32
    %c0_i32_0 = arith.constant 0 : i32
    %c0_i32_1 = arith.constant 0 : i32
    return %arg0, %c0_i32, %c0_i32_0 : i32, i32, i32
  }
  func.func @transform_3(%arg0: i32) -> (i32, i32, i32) {
    %c0_i32 = arith.constant 0 : i32
    %c0_i32_0 = arith.constant 0 : i32
    %c0_i32_1 = arith.constant 0 : i32
    return %arg0, %c0_i32, %c0_i32_0 : i32, i32, i32
  }
}

module attributes {stable_mosaic.version = 14 : i64} {
  func.func @_feat_body(%arg0: i32, %arg1: i32, %arg2: memref<1x64x384xf32, #tpu.memory_space<vmem>>, %arg3: memref<1x64x48x32xf32, #tpu.memory_space<vmem>>, %arg4: memref<3072x64xbf16, #tpu.memory_space<vmem>>, %arg5: memref<32x384xbf16, #tpu.memory_space<vmem>>, %arg6: memref<1x512xf32, #tpu.memory_space<vmem>>, %arg7: memref<128x128xf32, #tpu.memory_space<vmem>>, %arg8: memref<512x128xf32, #tpu.memory_space<vmem>>, %arg9: memref<1x128xf32, #tpu.memory_space<vmem>>, %arg10: memref<1x128xf32, #tpu.memory_space<vmem>>, %arg11: memref<1x128xf32, #tpu.memory_space<vmem>>, %arg12: memref<1x64x48x128xf32, #tpu.memory_space<vmem>>) attributes {dimension_semantics = [#tpu.dimension_semantics<arbitrary>, #tpu.dimension_semantics<arbitrary>], iteration_bounds = array<i64: 2, 16>, scalar_prefetch = 0 : i64, scratch_operands = 0 : i64, tpu.core_type = #tpu.core_type<tc>, window_params = [{transform_indices = @transform_0, window_bounds = array<i64: 1, 64, 384>}, {transform_indices = @transform_1, window_bounds = array<i64: 1, 64, 48, 32>}, {pipeline_mode = #tpu.pipeline_mode<synchronous>, transform_indices = @transform_2, window_bounds = array<i64: 3072, 64>}, {pipeline_mode = #tpu.pipeline_mode<synchronous>, transform_indices = @transform_3, window_bounds = array<i64: 32, 384>}, {pipeline_mode = #tpu.pipeline_mode<synchronous>, transform_indices = @transform_4, window_bounds = array<i64: 1, 512>}, {pipeline_mode = #tpu.pipeline_mode<synchronous>, transform_indices = @transform_5, window_bounds = array<i64: 128, 128>}, {pipeline_mode = #tpu.pipeline_mode<synchronous>, transform_indices = @transform_6, window_bounds = array<i64: 512, 128>}, {pipeline_mode = #tpu.pipeline_mode<synchronous>, transform_indices = @transform_7, window_bounds = array<i64: 1, 128>}, {pipeline_mode = #tpu.pipeline_mode<synchronous>, transform_indices = @transform_8, window_bounds = array<i64: 1, 128>}, {pipeline_mode = #tpu.pipeline_mode<synchronous>, transform_indices = @transform_9, window_bounds = array<i64: 1, 128>}, {transform_indices = @transform_10, window_bounds = array<i64: 1, 64, 48, 128>}]} {
    %get3A = arith.constant 0 : index
    %get3A_0 = arith.constant 0 : index
    %get3A_1 = arith.constant 0 : index
    %get3A_2 = vector.load %arg2[%get3A, %get3A_0, %get3A_1] : memref<1x64x384xf32, #tpu.memory_space<vmem>>, vector<1x64x384xf32>
    %get3A_3 = vector.shape_cast %get3A_2 : vector<1x64x384xf32> to vector<64x384xf32>
    %get3A_4 = arith.constant 0 : index
    %get3A_5 = arith.constant 0 : index
    %get3A_6 = arith.constant 0 : index
    %get3A_7 = arith.constant 0 : index
    %get3A_8 = vector.load %arg3[%get3A_4, %get3A_5, %get3A_6, %get3A_7] : memref<1x64x48x32xf32, #tpu.memory_space<vmem>>, vector<1x64x48x32xf32>
    %get3A_9 = vector.shape_cast %get3A_8 : vector<1x64x48x32xf32> to vector<64x48x32xf32>
    %reshape3A = vector.shape_cast %get3A_9 : vector<64x48x32xf32> to vector<3072x32xf32>
    %convert_element_type3A = arith.truncf %reshape3A : vector<3072x32xf32> to vector<3072x32xbf16>
    %convert_element_type3A_10 = arith.extf %convert_element_type3A : vector<3072x32xbf16> to vector<3072x32xf32>
    %sub3A = arith.subf %reshape3A, %convert_element_type3A_10 : vector<3072x32xf32>
    %convert_element_type3A_11 = arith.truncf %sub3A : vector<3072x32xf32> to vector<3072x32xbf16>
    %convert_element_type3A_12 = arith.truncf %get3A_3 : vector<64x384xf32> to vector<64x384xbf16>
    %convert_element_type3A_13 = arith.extf %convert_element_type3A_12 : vector<64x384xbf16> to vector<64x384xf32>
    %sub3A_14 = arith.subf %get3A_3, %convert_element_type3A_13 : vector<64x384xf32>
    %convert_element_type3A_15 = arith.truncf %sub3A_14 : vector<64x384xf32> to vector<64x384xbf16>
    %get3A_16 = arith.constant 0 : index
    %get3A_17 = arith.constant 0 : index
    %get3A_18 = vector.load %arg4[%get3A_16, %get3A_17] : memref<3072x64xbf16, #tpu.memory_space<vmem>>, vector<3072x64xbf16>
    %get3A_19 = arith.constant 0 : index
    %get3A_20 = arith.constant 0 : index
    %get3A_21 = vector.load %arg5[%get3A_19, %get3A_20] : memref<32x384xbf16, #tpu.memory_space<vmem>>, vector<32x384xbf16>
    %concatenate3A = tpu.concatenate %get3A_18, %convert_element_type3A in 1 : vector<3072x64xbf16>, vector<3072x32xbf16> -> vector<3072x96xbf16>
    %concatenate3A_22 = tpu.concatenate %get3A_18, %convert_element_type3A_11 in 1 : vector<3072x64xbf16>, vector<3072x32xbf16> -> vector<3072x96xbf16>
    %concatenate3A_23 = tpu.concatenate %convert_element_type3A_12, %get3A_21 in 0 : vector<64x384xbf16>, vector<32x384xbf16> -> vector<96x384xbf16>
    %concatenate3A_24 = tpu.concatenate %convert_element_type3A_15, %get3A_21 in 0 : vector<64x384xbf16>, vector<32x384xbf16> -> vector<96x384xbf16>
    %dot_general3A = arith.constant dense<0.000000e+00> : vector<3072x384xf32>
    %dot_general3A_25 = tpu.matmul %concatenate3A, %concatenate3A_23, %dot_general3A {dimension_numbers = #tpu.dot_dimension_numbers<[1], [0], [0], [1], [0, 0, 1, 1], [], []>, transpose_lhs_hint = false} : vector<3072x96xbf16>, vector<96x384xbf16>, vector<3072x384xf32> -> vector<3072x384xf32>
    %dot_general3A_26 = arith.constant dense<0.000000e+00> : vector<3072x384xf32>
    %dot_general3A_27 = tpu.matmul %concatenate3A_22, %concatenate3A_24, %dot_general3A_26 {dimension_numbers = #tpu.dot_dimension_numbers<[1], [0], [0], [1], [0, 0, 1, 1], [], []>, transpose_lhs_hint = false} : vector<3072x96xbf16>, vector<96x384xbf16>, vector<3072x384xf32> -> vector<3072x384xf32>
    %add3A = arith.addf %dot_general3A_25, %dot_general3A_27 : vector<3072x384xf32>
    %slice3A = vector.extract_strided_slice %add3A {offsets = [0, 0], sizes = [3072, 128], strides = [1, 1]} : vector<3072x384xf32> to vector<3072x128xf32>
    %slice3A_28 = vector.extract_strided_slice %add3A {offsets = [0, 128], sizes = [3072, 128], strides = [1, 1]} : vector<3072x384xf32> to vector<3072x128xf32>
    %slice3A_29 = vector.extract_strided_slice %add3A {offsets = [0, 256], sizes = [3072, 128], strides = [1, 1]} : vector<3072x384xf32> to vector<3072x128xf32>
    %mul3A = arith.mulf %slice3A, %slice3A : vector<3072x128xf32>
    %mul3A_30 = arith.mulf %slice3A_28, %slice3A_28 : vector<3072x128xf32>
    %add3A_31 = arith.addf %mul3A, %mul3A_30 : vector<3072x128xf32>
    %mul3A_32 = arith.mulf %slice3A_29, %slice3A_29 : vector<3072x128xf32>
    %add3A_33 = arith.addf %add3A_31, %mul3A_32 : vector<3072x128xf32>
    %add3A_34 = arith.constant 9.99999997E-7 : f32
    %add3A_35 = vector.broadcast %add3A_34 : f32 to vector<3072x128xf32>
    %add3A_36 = arith.addf %add3A_33, %add3A_35 : vector<3072x128xf32>
    %sqrt3A = math.sqrt %add3A_36 : vector<3072x128xf32>
    %concatenate3A_37 = tpu.concatenate %sqrt3A, %sqrt3A, %sqrt3A, %sqrt3A in 1 : vector<3072x128xf32>, vector<3072x128xf32>, vector<3072x128xf32>, vector<3072x128xf32> -> vector<3072x512xf32>
    %get3A_38 = arith.constant 0 : index
    %get3A_39 = arith.constant 0 : index
    %get3A_40 = vector.load %arg6[%get3A_38, %get3A_39] : memref<1x512xf32, #tpu.memory_space<vmem>>, vector<1x512xf32>
    %sub3A_41 = vector.broadcast %get3A_40 : vector<1x512xf32> to vector<3072x512xf32>
    %sub3A_42 = arith.subf %concatenate3A_37, %sub3A_41 : vector<3072x512xf32>
    %mul3A_43 = arith.mulf %sub3A_42, %sub3A_42 : vector<3072x512xf32>
    %neg3A = arith.constant 0.000000e+00 : f32
    %neg3A_44 = vector.broadcast %neg3A : f32 to vector<3072x512xf32>
    %neg3A_45 = arith.subf %neg3A_44, %mul3A_43 : vector<3072x512xf32>
    %mul3A_46 = arith.constant 6.400000e-01 : f32
    %mul3A_47 = vector.broadcast %mul3A_46 : f32 to vector<3072x512xf32>
    %mul3A_48 = arith.mulf %neg3A_45, %mul3A_47 : vector<3072x512xf32>
    %exp3A = math.exp %mul3A_48 : vector<3072x512xf32>
    %slice3A_49 = vector.extract_strided_slice %add3A {offsets = [0, 26], sizes = [3072, 1], strides = [1, 1]} : vector<3072x384xf32> to vector<3072x1xf32>
    %slice3A_50 = vector.extract_strided_slice %add3A {offsets = [0, 25], sizes = [3072, 1], strides = [1, 1]} : vector<3072x384xf32> to vector<3072x1xf32>
    %eq3A = arith.constant 0.000000e+00 : f32
    %eq3A_51 = vector.broadcast %eq3A : f32 to vector<3072x1xf32>
    %eq3A_52 = arith.cmpf oeq, %slice3A_50, %eq3A_51 : vector<3072x1xf32>
    %convert_element_type3A_53 = arith.extui %eq3A_52 : vector<3072x1xi1> to vector<3072x1xi32>
    %convert_element_type3A_54 = arith.sitofp %convert_element_type3A_53 : vector<3072x1xi32> to vector<3072x1xf32>
    %add3A_55 = arith.constant 3.200000e+01 : f32
    %add3A_56 = vector.broadcast %add3A_55 : f32 to vector<3072x1xf32>
    %add3A_57 = arith.addf %slice3A_49, %add3A_56 : vector<3072x1xf32>
    %jit3A = arith.constant 0.000000e+00 : f32
    %jit3A_58 = arith.constant 6.400000e+01 : f32
    %max3A = vector.broadcast %jit3A : f32 to vector<3072x1xf32>
    %max3A_59 = arith.maximumf %max3A, %add3A_57 : vector<3072x1xf32>
    %min3A = vector.broadcast %jit3A_58 : f32 to vector<3072x1xf32>
    %min3A_60 = arith.minimumf %min3A, %max3A_59 : vector<3072x1xf32>
    %mul3A_61 = arith.mulf %min3A_60, %convert_element_type3A_54 : vector<3072x1xf32>
    %sub3A_62 = arith.constant 1.000000e+00 : f32
    %sub3A_63 = vector.broadcast %sub3A_62 : f32 to vector<3072x1xf32>
    %sub3A_64 = arith.subf %sub3A_63, %convert_element_type3A_54 : vector<3072x1xf32>
    %mul3A_65 = arith.constant 6.500000e+01 : f32
    %mul3A_66 = vector.broadcast %mul3A_65 : f32 to vector<3072x1xf32>
    %mul3A_67 = arith.mulf %sub3A_64, %mul3A_66 : vector<3072x1xf32>
    %add3A_68 = arith.addf %mul3A_61, %mul3A_67 : vector<3072x1xf32>
    %iota3A = tpu.iota {dimensions = array<i32: 1>} : vector<3072x128xi32>
    %convert_element_type3A_69 = arith.sitofp %iota3A : vector<3072x128xi32> to vector<3072x128xf32>
    %eq3A_70 = vector.broadcast %add3A_68 : vector<3072x1xf32> to vector<3072x128xf32>
    %eq3A_71 = arith.cmpf oeq, %convert_element_type3A_69, %eq3A_70 : vector<3072x128xf32>
    %convert_element_type3A_72 = arith.extui %eq3A_71 : vector<3072x128xi1> to vector<3072x128xi32>
    %convert_element_type3A_73 = arith.sitofp %convert_element_type3A_72 : vector<3072x128xi32> to vector<3072x128xf32>
    %get3A_74 = arith.constant 0 : index
    %get3A_75 = arith.constant 0 : index
    %get3A_76 = vector.load %arg7[%get3A_74, %get3A_75] : memref<128x128xf32, #tpu.memory_space<vmem>>, vector<128x128xf32>
    %dot_general3A_77 = arith.constant dense<0.000000e+00> : vector<3072x128xf32>
    %dot_general3A_78 = tpu.matmul %convert_element_type3A_73, %get3A_76, %dot_general3A_77 {dimension_numbers = #tpu.dot_dimension_numbers<[1], [0], [0], [1], [0, 0, 1, 1], [], []>, transpose_lhs_hint = false} : vector<3072x128xf32>, vector<128x128xf32>, vector<3072x128xf32> -> vector<3072x128xf32>
    %get3A_79 = arith.constant 0 : index
    %get3A_80 = arith.constant 0 : index
    %get3A_81 = vector.load %arg8[%get3A_79, %get3A_80] : memref<512x128xf32, #tpu.memory_space<vmem>>, vector<512x128xf32>
    %dot_general3A_82 = arith.constant dense<0.000000e+00> : vector<3072x128xf32>
    %dot_general3A_83 = tpu.matmul %exp3A, %get3A_81, %dot_general3A_82 {dimension_numbers = #tpu.dot_dimension_numbers<[1], [0], [0], [1], [0, 0, 1, 1], [], []>, transpose_lhs_hint = false} : vector<3072x512xf32>, vector<512x128xf32>, vector<3072x128xf32> -> vector<3072x128xf32>
    %add3A_84 = arith.addf %dot_general3A_78, %dot_general3A_83 : vector<3072x128xf32>
    %get3A_85 = arith.constant 0 : index
    %get3A_86 = arith.constant 0 : index
    %get3A_87 = vector.load %arg9[%get3A_85, %get3A_86] : memref<1x128xf32, #tpu.memory_space<vmem>>, vector<1x128xf32>
    %add3A_88 = vector.broadcast %get3A_87 : vector<1x128xf32> to vector<3072x128xf32>
    %add3A_89 = arith.addf %add3A_84, %add3A_88 : vector<3072x128xf32>
    %reduce_sum3A = arith.constant dense<0.000000e+00> : vector<3072xf32>
    %reduce_sum3A_90 = vector.multi_reduction <add>, %add3A_89, %reduce_sum3A [1] : vector<3072x128xf32> to vector<3072xf32>
    %broadcast_in_dim3A = vector.shape_cast %reduce_sum3A_90 : vector<3072xf32> to vector<3072x1xf32>
    %div3A = arith.constant 1.280000e+02 : f32
    %div3A_91 = vector.broadcast %div3A : f32 to vector<3072x1xf32>
    %div3A_92 = arith.divf %broadcast_in_dim3A, %div3A_91 : vector<3072x1xf32>
    %sub3A_93 = vector.broadcast %div3A_92 : vector<3072x1xf32> to vector<3072x128xf32>
    %sub3A_94 = arith.subf %add3A_89, %sub3A_93 : vector<3072x128xf32>
    %mul3A_95 = arith.mulf %sub3A_94, %sub3A_94 : vector<3072x128xf32>
    %reduce_sum3A_96 = arith.constant dense<0.000000e+00> : vector<3072xf32>
    %reduce_sum3A_97 = vector.multi_reduction <add>, %mul3A_95, %reduce_sum3A_96 [1] : vector<3072x128xf32> to vector<3072xf32>
    %broadcast_in_dim3A_98 = vector.shape_cast %reduce_sum3A_97 : vector<3072xf32> to vector<3072x1xf32>
    %div3A_99 = arith.constant 1.280000e+02 : f32
    %div3A_100 = vector.broadcast %div3A_99 : f32 to vector<3072x1xf32>
    %div3A_101 = arith.divf %broadcast_in_dim3A_98, %div3A_100 : vector<3072x1xf32>
    %add3A_102 = arith.constant 9.99999974E-6 : f32
    %add3A_103 = vector.broadcast %add3A_102 : f32 to vector<3072x1xf32>
    %add3A_104 = arith.addf %div3A_101, %add3A_103 : vector<3072x1xf32>
    %rsqrt3A = math.rsqrt %add3A_104 : vector<3072x1xf32>
    %mul3A_105 = vector.broadcast %rsqrt3A : vector<3072x1xf32> to vector<3072x128xf32>
    %mul3A_106 = arith.mulf %sub3A_94, %mul3A_105 : vector<3072x128xf32>
    %get3A_107 = arith.constant 0 : index
    %get3A_108 = arith.constant 0 : index
    %get3A_109 = vector.load %arg10[%get3A_107, %get3A_108] : memref<1x128xf32, #tpu.memory_space<vmem>>, vector<1x128xf32>
    %mul3A_110 = vector.broadcast %get3A_109 : vector<1x128xf32> to vector<3072x128xf32>
    %mul3A_111 = arith.mulf %mul3A_106, %mul3A_110 : vector<3072x128xf32>
    %get3A_112 = arith.constant 0 : index
    %get3A_113 = arith.constant 0 : index
    %get3A_114 = vector.load %arg11[%get3A_112, %get3A_113] : memref<1x128xf32, #tpu.memory_space<vmem>>, vector<1x128xf32>
    %add3A_115 = vector.broadcast %get3A_114 : vector<1x128xf32> to vector<3072x128xf32>
    %add3A_116 = arith.addf %mul3A_111, %add3A_115 : vector<3072x128xf32>
    %reshape3A_117 = vector.shape_cast %add3A_116 : vector<3072x128xf32> to vector<64x48x128xf32>
    %swap3A = arith.constant 0 : index
    %swap3A_118 = arith.constant 0 : index
    %swap3A_119 = arith.constant 0 : index
    %swap3A_120 = arith.constant 0 : index
    %swap3A_121 = vector.load %arg12[%swap3A, %swap3A_118, %swap3A_119, %swap3A_120] : memref<1x64x48x128xf32, #tpu.memory_space<vmem>>, vector<1x64x48x128xf32>
    %swap3A_122 = vector.shape_cast %swap3A_121 : vector<1x64x48x128xf32> to vector<64x48x128xf32>
    %swap3A_123 = vector.shape_cast %reshape3A_117 : vector<64x48x128xf32> to vector<1x64x48x128xf32>
    tpu.vector_store %arg12[%swap3A, %swap3A_118, %swap3A_119, %swap3A_120], %swap3A_123 {strides = array<i32>} : memref<1x64x48x128xf32, #tpu.memory_space<vmem>>, vector<1x64x48x128xf32>,
    return
  }
  func.func @transform_0(%arg0: i32, %arg1: i32) -> (i32, i32, i32) {
    %c0_i32 = arith.constant 0 : i32
    %c0_i32_0 = arith.constant 0 : i32
    return %arg0, %arg1, %c0_i32 : i32, i32, i32
  }
  func.func @transform_1(%arg0: i32, %arg1: i32) -> (i32, i32, i32, i32) {
    %c0_i32 = arith.constant 0 : i32
    %c0_i32_0 = arith.constant 0 : i32
    %c0_i32_1 = arith.constant 0 : i32
    return %arg0, %arg1, %c0_i32, %c0_i32_0 : i32, i32, i32, i32
  }
  func.func @transform_2(%arg0: i32, %arg1: i32) -> (i32, i32) {
    %c0_i32 = arith.constant 0 : i32
    %c0_i32_0 = arith.constant 0 : i32
    %c0_i32_1 = arith.constant 0 : i32
    return %c0_i32, %c0_i32_0 : i32, i32
  }
  func.func @transform_3(%arg0: i32, %arg1: i32) -> (i32, i32) {
    %c0_i32 = arith.constant 0 : i32
    %c0_i32_0 = arith.constant 0 : i32
    %c0_i32_1 = arith.constant 0 : i32
    return %c0_i32, %c0_i32_0 : i32, i32
  }
  func.func @transform_4(%arg0: i32, %arg1: i32) -> (i32, i32) {
    %c0_i32 = arith.constant 0 : i32
    %c0_i32_0 = arith.constant 0 : i32
    %c0_i32_1 = arith.constant 0 : i32
    return %c0_i32, %c0_i32_0 : i32, i32
  }
  func.func @transform_5(%arg0: i32, %arg1: i32) -> (i32, i32) {
    %c0_i32 = arith.constant 0 : i32
    %c0_i32_0 = arith.constant 0 : i32
    %c0_i32_1 = arith.constant 0 : i32
    return %c0_i32, %c0_i32_0 : i32, i32
  }
  func.func @transform_6(%arg0: i32, %arg1: i32) -> (i32, i32) {
    %c0_i32 = arith.constant 0 : i32
    %c0_i32_0 = arith.constant 0 : i32
    %c0_i32_1 = arith.constant 0 : i32
    return %c0_i32, %c0_i32_0 : i32, i32
  }
  func.func @transform_7(%arg0: i32, %arg1: i32) -> (i32, i32) {
    %c0_i32 = arith.constant 0 : i32
    %c0_i32_0 = arith.constant 0 : i32
    %c0_i32_1 = arith.constant 0 : i32
    return %c0_i32, %c0_i32_0 : i32, i32
  }
  func.func @transform_8(%arg0: i32, %arg1: i32) -> (i32, i32) {
    %c0_i32 = arith.constant 0 : i32
    %c0_i32_0 = arith.constant 0 : i32
    %c0_i32_1 = arith.constant 0 : i32
    return %c0_i32, %c0_i32_0 : i32, i32
  }
  func.func @transform_9(%arg0: i32, %arg1: i32) -> (i32, i32) {
    %c0_i32 = arith.constant 0 : i32
    %c0_i32_0 = arith.constant 0 : i32
    %c0_i32_1 = arith.constant 0 : i32
    return %c0_i32, %c0_i32_0 : i32, i32
  }
  func.func @transform_10(%arg0: i32, %arg1: i32) -> (i32, i32, i32, i32) {
    %c0_i32 = arith.constant 0 : i32
    %c0_i32_0 = arith.constant 0 : i32
    %c0_i32_1 = arith.constant 0 : i32
    return %arg0, %arg1, %c0_i32, %c0_i32_0 : i32, i32, i32, i32
  }
}

</mosaic_0001>

<sc_bundles>
// kernel: kernel.6.cloned.1.call-start
scs
__scs_entry_jumppad:
0x0: {  	(pc) =	sbr.rel $0x88, $3  }
0x1: {  	(tag) =	ssettag $0x0;
	lr =	simm.s32 $0x1  }
0x2: {  	[smem:$0x3F98] =	sst lr;
	_ =	strace $0xD0000000  }
0x3: {  	_ = 	snop  }
0x4: {  	_ = 	snop  }
0x5: {  	_ = 	snop  }
0x6: {  	_ = 	snop  }
0x7: {  	_ = 	snop  }
__scs_overlays_trampoline_lowered:
0x8: {  	[smem:$0x3FA7] =	sst s0  }
0x9: {  	[smem:$0x3FA8] =	sst s1  }
0xa: {  	[smem:$0x3FA9] =	sst s2  }
0xb: {  	[smem:$0x3FAA] =	sst s3  }
0xc: {  	[smem:$0x3FAB] =	sst s4  }
0xd: {  	[smem:$0x3FAC] =	sst s5  }
0xe: {  	[smem:$0x3FAD] =	sst s6  }
0xf: {  	[smem:$0x3FAE] =	sst s7  }
0x10: {  	[smem:$0x3FAF] =	sst s8  }
0x11: {  	[smem:$0x3FB0] =	sst s9;
	s0 =	simm.s32 @!p0 $0x0  }
0x12: {  	s1 =	sld [smem:$0x3F96];
	s0 =	simm.s32 @p0 $0x1  }
0x13: {  	[smem:$0x3FB1] =	sst s0;
	s0 =	simm.s32 @!p1 $0x0  }
0x14: {  	s2 =	sld [smem:$0x3F95];
	s0 =	simm.s32 @p1 $0x1  }
0x15: {  	[smem:$0x3FB2] =	sst s0;
	s0 =	simm.s32 @!p2 $0x0  }
0x16: {  	s3 =	sld [smem:$0x3FDB];
	s0 =	simm.s32 @p2 $0x1  }
0x17: {  	s4 =	simm.s32 $0x1BF5;
	[smem:$0x3FB4] =	sst s0  }
0x18: {  	s0 =	sld [smem:$0x3F97];
	_ =	swait.ge [sflag:s4], $0x0  }
0x19: {  	s7 =	sld [smem:$0x3F98]  }
0x1a: {  	s8 =	sadd.s32 $0xFFFFE003, lr  }
0x1b: {  	s9 =	sadd.s32 $0xFFFFFEF7, lr;
	s5 =	simm.s32 $0xFFFFFFFF;
	p2 =	slt.u32 s8, $0xFFFFF086  }
0x1c: {  	p1 =	slt.u32 s9, $0xF7A;
	s5 =	simm.s32 @!p2 $0x0  }
0x1d: {  	s5 =	simm.s32 @p1 $0x1;
	p0 =	seq.s32 s7, s2  }
0x1e: {  	s7 =	smul.u32 @!p0 $0xF7A, s2;
	p2 =	seq.s32 @!p0 s5, $0x0  }
0x1f: {  	s9 =	smul.u32 $0xF7A, s1;
	s8 =	simm.s32 @!p0 $0x1BF5;
	p2 =	por !p2, p0  }
0x20: {  	[sflag:s8] =	ssyncset.s32 @!p0 $0xFFFFF086;
	s6 =	sadd.s32 @!p0 s3, s7;
	s7 =	simm.s32 @!p0 $0x108  }
0x21: {  	s3 =	sadd.s32 s3, s9;
	s6 =	sadd.s32 @!p0 $0x88, s6;
	s7 =	simm.s32 @p2 $0x1082  }
0x22: {  	[simem:s7], [sflag:s8] =	dma.local @!p0 [hbm:s6], $0xF7A  }
0x23: {  	s9 =	sor.u32 $0xD0000000, s2;
	s6 =	simm.s32 $0x108;
	_ =	swait.ge @!p0 [sflag:s8], $0x0  }
0x24: {  	s3 =	sadd.s32 $0x88, s3;
	s6 =	simm.s32 @!p1 $0x1082;
	[sflag:s4] =	ssyncset.s32 $0xFFFFF086  }
0x25: {  	[simem:s6], [sflag:s4] =	dma.local [hbm:s3], $0xF7A  }
0x26: {  	[smem:$0x3F98] =	sst s1;
	(tag) =	ssettag s2;
	_ =	strace s9  }
0x27: {  	s1 =	sld [smem:$0x3FA8]  }
0x28: {  	s2 =	sld [smem:$0x3FA9]  }
0x29: {  	s4 =	sld [smem:$0x3FAB]  }
0x2a: {  	p0 =	seq.s32 s5, $0x0;
	s5 =	sld [smem:$0x3FAC]  }
0x2b: {  	s6 =	sld [smem:$0x3FAD]  }
0x2c: {  	s7 =	sld [smem:$0x3FAE]  }
0x2d: {  	s3 =	simm.s32 $0x108;
	s8 =	sld [smem:$0x3FAF]  }
0x2e: {  	s3 =	simm.s32 @!p0 $0x1082;
	s9 =	sld [smem:$0x3FB0]  }
0x2f: {  	lr =	sadd.s32 s0, s3;
	s0 =	sld [smem:$0x3FA7]  }
0x30: {  	s3 =	sld [smem:$0x3FAA]  }
0x31: {  	[smem:$0x3FB3] =	sst s10  }
0x32: {  	s10 =	sld [smem:$0x3FB1];
	_ =	sdelay $0x3  }
0x33: {  	p0 =	seq.s32 s10, $0x1;
	s10 =	sld [smem:$0x3FB3];
	_ =	sdelay $0x3  }
0x34: {  	[smem:$0x3FB3] =	sst s10  }
0x35: {  	s10 =	sld [smem:$0x3FB2];
	_ =	sdelay $0x3  }
0x36: {  	p1 =	seq.s32 s10, $0x1;
	s10 =	sld [smem:$0x3FB3];
	_ =	sdelay $0x3  }
0x37: {  	[smem:$0x3FB3] =	sst s10  }
0x38: {  	s10 =	sld [smem:$0x3FB4]  }
0x39: {  	_ = 	snop;
	(pc) =	sbr.ind lr, $3  }
0x3a: {  	_ = 	snop  }
0x3b: {  	_ = 	snop  }
0x3c: {  	p2 =	seq.s32 s10, $0x1;
	s10 =	sld [smem:$0x3FB3]  }
0x3d: {  	_ =	shalt  }
0x3e: {  	_ =	shalt  }
0x3f: {  	_ =	shalt  }
0x40: {  	_ =	shalt  }
0x41: {  	_ =	shalt  }
0x42: {  	_ =	shalt  }
0x43: {  	_ =	shalt  }
0x44: {  	_ =	shalt  }
0x45: {  	_ =	shalt  }
0x46: {  	_ =	shalt  }
0x47: {  	_ =	shalt  }
0x48: {  	_ =	shalt  }
0x49: {  	_ =	shalt  }
0x4a: {  	_ =	shalt  }
0x4b: {  	_ =	shalt  }
0x4c: {  	_ =	shalt  }
0x4d: {  	_ =	shalt  }
0x4e: {  	_ =	shalt  }
0x4f: {  	_ =	shalt  }
0x50: {  	_ =	shalt  }
0x51: {  	_ =	shalt  }
0x52: {  	_ =	shalt  }
0x53: {  	_ =	shalt  }
0x54: {  	_ =	shalt  }
0x55: {  	_ =	shalt  }
0x56: {  	_ =	shalt  }
0x57: {  	_ =	shalt  }
0x58: {  	_ =	shalt  }
0x59: {  	_ =	shalt  }
0x5a: {  	_ =	shalt  }
0x5b: {  	_ =	shalt  }
0x5c: {  	_ =	shalt  }
0x5d: {  	_ =	shalt  }
0x5e: {  	_ =	shalt  }
0x5f: {  	_ =	shalt  }
0x60: {  	_ =	shalt  }
0x61: {  	_ =	shalt  }
0x62: {  	_ =	shalt  }
0x63: {  	_ =	shalt  }
0x64: {  	_ =	shalt  }
0x65: {  	_ =	shalt  }
0x66: {  	_ =	shalt  }
0x67: {  	_ =	shalt  }
0x68: {  	_ =	shalt  }
0x69: {  	_ =	shalt  }
0x6a: {  	_ =	shalt  }
0x6b: {  	_ =	shalt  }
0x6c: {  	_ =	shalt  }
0x6d: {  	_ =	shalt  }
0x6e: {  	_ =	shalt  }
0x6f: {  	_ =	shalt  }
0x70: {  	_ =	shalt  }
0x71: {  	_ =	shalt  }
0x72: {  	_ =	shalt  }
0x73: {  	_ =	shalt  }
0x74: {  	_ =	shalt  }
0x75: {  	_ =	shalt  }
0x76: {  	_ =	shalt  }
0x77: {  	_ =	shalt  }
0x78: {  	_ =	shalt  }
0x79: {  	_ =	shalt  }
0x7a: {  	_ =	shalt  }
0x7b: {  	_ =	shalt  }
0x7c: {  	_ =	shalt  }
0x7d: {  	_ =	shalt  }
0x7e: {  	_ =	shalt  }
0x7f: {  	_ =	shalt  }
0x80: {  	_ =	shalt  }
0x81: {  	_ =	shalt  }
0x82: {  	_ =	shalt  }
0x83: {  	_ =	shalt  }
0x84: {  	_ =	shalt  }
0x85: {  	_ =	shalt  }
0x86: {  	_ =	shalt  }
0x87: {  	_ =	shalt  }
.Lfunc_end0:
.L_simem_size_0:
called_computation_lowered:
.L_overlay_start_0:
0x88: {  	s2 =	sld [smem:$0x3FD9]  }
0x89: {  	s3 =	sld [smem:$0x3FFE];
	_ =	sdelay $0x1  }
0x8a: {  	s1 =	srdreg.scid  }
0x8b: {  	s0 =	sand.u32 $0x1, s1  }
0x8c: {  	s14 =	sshll.u32 s0, $0xA;
	s2 =	sadd.s32 s3, s2  }
0x8d: {  	s2 =	sadd.s32 s2, s14  }
0x8e: {  	[smem:$0x3FBF] =	sst s2  }
0x8f: {  	_ = 	snop  }
0x90: {  	s2 =	sld [smem:$0x3FD0];
	_ =	sdelay $0x2  }
0x91: {  	s15 =	simm.s32 $0xA;
	s4 =	simm.s32 $0x10  }
0x92: {  	[smem:s4], [sflag:s15] =	dma.local [hbm:s2], $0x1  }
0x93: {  	_ =	swait.eq [sflag:s15], $0x1  }
0x94: {  	[sflag:s15] =	ssyncset.done $0x0  }
0x95: {  	[sflag:s15] =	ssyncadd.s32 $0xFFFFFFFF  }
0x96: {  	s16 =	sld [smem:$0x11];
	(tm) =	ssettm $0x1  }
0x97: {  	s17 =	sld [smem:$0x3FFB];
	_ =	sdelay $0x3  }
0x98: {  	_ =	strace s17  }
0x99: {  	s3 =	sld [smem:$0x3FFC];
	_ =	sdelay $0x3  }
0x9a: {  	_ =	strace s3  }
0x9b: {  	s3 =	sld [smem:$0x3FFD];
	_ =	sdelay $0x3  }
0x9c: {  	_ =	strace s3  }
0x9d: {  	_ =	strace $0x8FFFFFFF  }
0x9e: {  	s18 =	sld [smem:$0x3FDB];
	_ =	sdelay $0x1  }
0x9f: {  	s19 =	simm.s32 $_scs_section_size  }
0xa0: {  	s5 =	simm.s32 $_size__tile_overlayer_lowered;
	s6 =	simm.s32 $_tile_overlayer_lowered  }
0xa1: {  	s22 =	simm.s32 $0x1BFF;
	s21 =	sshll.u32 s6, $0x1;
	s3 =	sadd.s32 s19, s18  }
0xa2: {  	s7 =	simm.s32 $0x0;
	s20 =	sshll.u32 s5, $0x1;
	s5 =	sadd.s32 s21, s3  }
0xa3: {  	[timem:s7], [sflag:s22] =	dma.local [hbm:s5], s20  }
0xa4: {  	_ =	swait.ge [sflag:s22], s20  }
0xa5: {  	s4 =	ssub.s32 $0x0, s20;
	[sflag:s22] =	ssyncset.done $0x0  }
0xa6: {  	[sflag:s22] =	ssyncadd.s32 s4;
	_ =	sdelay $0x1  }
0xa7: {  	s23 =	simm.s32 $0x1B8B  }
0xa8: {  	_ =	swait.ge [sflag:s23], $0x1  }
0xa9: {  	[sflag:s23] =	ssyncset.done $0x0  }
0xaa: {  	s25 =	simm.s32 $0x1B8E;
	s24 =	sld [smem:$0x3FFE];
	[sflag:s23] =	ssyncadd.s32 $0xFFFFFFFF  }
0xab: {  	s26 =	simm.s32 $execute0_lowered;
	[smem:$0x3FD2] =	sst s25  }
0xac: {  	s5 =	sshll.u32 s26, $0x1;
	_ =	strace $0x80000046;
	[dreg:$0x1] =	wrdreg $0xFFFFFFFF  }
0xad: {  	s28 =	simm.s32 $_size_execute0_lowered;
	s3 =	sadd.s32 s3, s5;
	[dreg:$0x0] =	wrdreg $0x0  }
0xae: {  	s5 =	sshll.u32 s28, $0x1;
	[dreg:$0x2] =	wrdreg s3  }
0xaf: {  	[dreg:$0x3] =	wrdreg s5  }
0xb0: {  	[dreg:$0x4] =	wrdreg $0xC0  }
0xb1: {  	_ =	task [dreg:s7], $0x5FFFF  }
0xb2: {  	[dreg:$0x1] =	wrdreg $0xFFFFFFFF  }
0xb3: {  	[dreg:$0x0] =	wrdreg $0x60  }
0xb4: {  	[dreg:$0x2] =	wrdreg s24  }
0xb5: {  	[dreg:$0x3] =	wrdreg s16  }
0xb6: {  	[dreg:$0x4] =	wrdreg $0x9  }
0xb7: {  	_ =	task.clear_ibuf [dreg:s7], $0x5FFFF;
	_ =	strace $0x90000046  }
0xb8: {  	s29 =	simm.s32 $0x9;
	_ =	strace $0x80000048  }
0xb9: {  	_ =	swait.ge [sflag:s29], $0x1  }
0xba: {  	[sflag:s29] =	ssyncadd.s32 $0xFFFFFFFF  }
0xbb: {  	_ =	strace $0x90000048  }
0xbc: {  	_ =	sfence  }
0xbd: {  	s30 =	sld [smem:$0x0];
	_ =	sdelay $0x2  }
0xbe: {  	s31 =	sshll.u32 s1, $0xD;
	s1 =	sshrl.u32 s1, $0x2  }
0xbf: {  	s3 =	sand.u32 $0x4000, s31;
	s1 =	sadd.s32 s1, s30  }
0xc0: {  	s0 =	sor.u32 s3, s0;
	s1 =	sshll.u32 s1, $0x11  }
0xc1: {  	s0 =	sor.u32 s1, s0  }
0xc2: {  	s0 =	sadd.s32 $0x8F2B, s0  }
0xc3: {  	[sflag:s0] =	ssyncadd.remote.s32 $0x1  }
0xc4: {  	_ =	sfence.sel $0xFFFF  }
0xc5: {  	[dreg:$0x0] =	wrdreg $0xFFFFFFFF;
	(pc) =	sbr.abs _section_cstart, $3  }
0xc6: {  	[dreg:$0x1] =	wrdreg $0xFFFFFFFF  }
0xc7: {  	_ =	task.clear_ibuf [dreg:s7], $0x2FFFF;
	_ =	strace $0x9FFFFFFF  }
0xc8: {  	(tm) =	ssettm $0x7FFFFFFF  }
0xc9: {  	_ =	shalt  }
tec
execute0_lowered:
.L_overlay_start_1:
0x0: {  	(tag) =	ssettag $0x1  }
0x1: {  	s0 =	srdreg.scid;
	s2 =	stileid.u32  }
0x2: {  	s4 =	rddreg [dreg:$0x0];
	s1 =	sand.u32 $0x1, s0;
	s2 =	sshll.u32 s2, $0x1  }
0x3: {  	s3 =	rddreg [dreg:$0x1];
	s0 =	sor.u32 s1, s2;
	s2 =	simm.s32 $0x0  }
0x4: {  	s6 =	simm.s32 $0x2C00;
	[smem:$0x7FF] =	sst s2  }
0x5: {  	s7 =	simm.s32 $0x180;
	_ =	strace $0x80000047;
	[dreg:$0x7] =	wrdreg s6  }
0x6: {  	s8 =	simm.s32 $0x3C00;
	[dreg:$0x8] =	wrdreg s7  }
0x7: {  	s9 =	simm.s32 $0x200;
	[dreg:$0x9] =	wrdreg s8  }
0x8: {  	s10 =	simm.s32 $0x4C00;
	[dreg:$0xa] =	wrdreg s9  }
0x9: {  	s11 =	simm.s32 $0x280;
	[dreg:$0xb] =	wrdreg s10  }
0xa: {  	s12 =	simm.s32 $0x5C00;
	[dreg:$0xc] =	wrdreg s11  }
0xb: {  	s13 =	simm.s32 $0x300;
	[dreg:$0xd] =	wrdreg s12  }
0xc: {  	s14 =	simm.s32 $0x6C00;
	[dreg:$0xe] =	wrdreg s13  }
0xd: {  	s15 =	simm.s32 $0x380;
	[dreg:$0xf] =	wrdreg s14  }
0xe: {  	s16 =	simm.s32 $0x7C00;
	[dreg:$0x10] =	wrdreg s15  }
0xf: {  	s17 =	simm.s32 $0x400;
	[dreg:$0x11] =	wrdreg s16  }
0x10: {  	s18 =	simm.s32 $0x8C00;
	[dreg:$0x12] =	wrdreg s17  }
0x11: {  	s19 =	simm.s32 $0x480;
	[dreg:$0x13] =	wrdreg s18  }
0x12: {  	s20 =	simm.s32 $0x9C00;
	[dreg:$0x14] =	wrdreg s19  }
0x13: {  	s21 =	simm.s32 $0x500;
	[dreg:$0x15] =	wrdreg s20  }
0x14: {  	s22 =	simm.s32 $0xAC00;
	[dreg:$0x16] =	wrdreg s21  }
0x15: {  	s23 =	simm.s32 $0x580;
	s5 =	smul.u32 $0x180, s0;
	[dreg:$0x17] =	wrdreg s22  }
0x16: {  	s24 =	simm.s32 $0xBC00;
	s0 =	smul.u32 $0x3000, s0;
	[dreg:$0x18] =	wrdreg s23  }
0x17: {  	s25 =	simm.s32 $0x600;
	[dreg:$0x19] =	wrdreg s24  }
0x18: {  	[dreg:$0x1a] =	wrdreg s25;
	s0 =	sadd.s32 s3, s0  }
0x19: {  	s5 =	sadd.s32 s5, s4;
	s3 =	simm.s32 $0x1C00;
	[dreg:$0x4] =	wrdreg s0  }
0x1a: {  	s5 =	sadd.s32 $0x2000, s5;
	[dreg:$0x5] =	wrdreg s3  }
0x1b: {  	[dreg:$0x3] =	wrdreg s5;
	s5 =	simm.s32 $0x100  }
0x1c: {  	[dreg:$0x6] =	wrdreg s5  }
0x1d: {  	s3 =	simm.s32 $0x2;
	s5 =	rddreg [dreg:$0x3]  }
0x1e: {  	[tilespmem:s2], [sflag:$0x2] =	stream.linear.gather [hbm4b:s5+s2], $0xC00, $0x38;
	[tilespmem:$0x18C00] =	vst v63  }
0x1f: {  	_ =	swait.ge [sflag:s3], $0xC00  }
0x20: {  	s0 =	rddreg [dreg:$0x19]  }
0x21: {  	s7 =	rddreg [dreg:$0x17]  }
0x22: {  	s8 =	rddreg [dreg:$0x15]  }
0x23: {  	s9 =	rddreg [dreg:$0x13]  }
0x24: {  	s10 =	rddreg [dreg:$0x11]  }
0x25: {  	s11 =	rddreg [dreg:$0xf]  }
0x26: {  	s12 =	rddreg [dreg:$0xd]  }
0x27: {  	s6 =	simm.s32 $0x80;
	s13 =	rddreg [dreg:$0xb]  }
0x28: {  	s5 =	sadd.s32 $0x5000, s4;
	s14 =	rddreg [dreg:$0x6];
	[sflag:s3] =	ssyncset.done $0x0  }
0x29: {  	s4 =	simm.s32 $0xC00;
	s15 =	rddreg [dreg:$0x5];
	[sflag:s3] =	ssyncadd.s32 $0xFFFFF400  }
0x2a: {  	[tilespmem:s4], [sflag:$0x1] =	stream.indirect.gather [hbm4b:s5+s6], $0x20, s2, s6, $0xb8;
	[tilespmem:$0x18C00] =	vst v63  }
0x2b: {  	s16 =	rddreg [dreg:$0x7]  }
0x2c: {  	[tilespmem:s15], [sflag:$0x1] =	stream.indirect.gather [hbm4b:s5+s6], $0x20, s6, s6, $0xb8;
	[tilespmem:$0x18C00] =	vst v63  }
0x2d: {  	s17 =	rddreg [dreg:$0x9]  }
0x2e: {  	[tilespmem:s16], [sflag:$0x1] =	stream.indirect.gather [hbm4b:s5+s6], $0x20, s14, s6, $0xb8;
	[tilespmem:$0x18C00] =	vst v63  }
0x2f: {  	s26 =	rddreg [dreg:$0x8]  }
0x30: {  	[tilespmem:s17], [sflag:$0x1] =	stream.indirect.gather [hbm4b:s5+s6], $0x20, s26, s6, $0xb8;
	[tilespmem:$0x18C00] =	vst v63  }
0x31: {  	s16 =	rddreg [dreg:$0xa]  }
0x32: {  	[tilespmem:s13], [sflag:$0x1] =	stream.indirect.gather [hbm4b:s5+s6], $0x20, s16, s6, $0xb8;
	[tilespmem:$0x18C00] =	vst v63  }
0x33: {  	s18 =	rddreg [dreg:$0xc]  }
0x34: {  	[tilespmem:s12], [sflag:$0x1] =	stream.indirect.gather [hbm4b:s5+s6], $0x20, s18, s6, $0xb8;
	[tilespmem:$0x18C00] =	vst v63  }
0x35: {  	s19 =	rddreg [dreg:$0xe]  }
0x36: {  	[tilespmem:s11], [sflag:$0x1] =	stream.indirect.gather [hbm4b:s5+s6], $0x20, s19, s6, $0xb8;
	[tilespmem:$0x18C00] =	vst v63  }
0x37: {  	s20 =	rddreg [dreg:$0x10]  }
0x38: {  	[tilespmem:s10], [sflag:$0x1] =	stream.indirect.gather [hbm4b:s5+s6], $0x20, s20, s6, $0xb8;
	[tilespmem:$0x18C00] =	vst v63  }
0x39: {  	s21 =	rddreg [dreg:$0x12]  }
0x3a: {  	[tilespmem:s9], [sflag:$0x1] =	stream.indirect.gather [hbm4b:s5+s6], $0x20, s21, s6, $0xb8;
	[tilespmem:$0x18C00] =	vst v63  }
0x3b: {  	s22 =	rddreg [dreg:$0x14]  }
0x3c: {  	[tilespmem:s8], [sflag:$0x1] =	stream.indirect.gather [hbm4b:s5+s6], $0x20, s22, s6, $0xb8;
	[tilespmem:$0x18C00] =	vst v63  }
0x3d: {  	s23 =	rddreg [dreg:$0x16]  }
0x3e: {  	[tilespmem:s7], [sflag:$0x1] =	stream.indirect.gather [hbm4b:s5+s6], $0x20, s23, s6, $0xb8;
	[tilespmem:$0x18C00] =	vst v63  }
0x3f: {  	s24 =	rddreg [dreg:$0x18]  }
0x40: {  	[tilespmem:s0], [sflag:$0x1] =	stream.indirect.gather [hbm4b:s5+s6], $0x20, s24, s6, $0xb8;
	[tilespmem:$0x18C00] =	vst v63  }
0x41: {  	s25 =	rddreg [dreg:$0x1a];
	s26 =	simm.s32 $0xCC00  }
0x42: {  	[tilespmem:s26], [sflag:$0x1] =	stream.indirect.gather [hbm4b:s5+s6], $0x20, s25, s6, $0xb8;
	[tilespmem:$0x18C00] =	vst v63  }
0x43: {  	s8 =	simm.s32 $0xDC00;
	s7 =	simm.s32 $0x680  }
0x44: {  	[tilespmem:s8], [sflag:$0x1] =	stream.indirect.gather [hbm4b:s5+s6], $0x20, s7, s6, $0xb8;
	[tilespmem:$0x18C00] =	vst v63  }
0x45: {  	s10 =	simm.s32 $0xEC00;
	s9 =	simm.s32 $0x700  }
0x46: {  	[tilespmem:s10], [sflag:$0x1] =	stream.indirect.gather [hbm4b:s5+s6], $0x20, s9, s6, $0xb8;
	[tilespmem:$0x18C00] =	vst v63  }
0x47: {  	s12 =	simm.s32 $0xFC00;
	s11 =	simm.s32 $0x780  }
0x48: {  	[tilespmem:s12], [sflag:$0x1] =	stream.indirect.gather [hbm4b:s5+s6], $0x20, s11, s6, $0xb8;
	[tilespmem:$0x18C00] =	vst v63  }
0x49: {  	s14 =	simm.s32 $0x10C00;
	s13 =	simm.s32 $0x800  }
0x4a: {  	[tilespmem:s14], [sflag:$0x1] =	stream.indirect.gather [hbm4b:s5+s6], $0x20, s13, s6, $0xb8;
	[tilespmem:$0x18C00] =	vst v63  }
0x4b: {  	s15 =	simm.s32 $0x880;
	s16 =	simm.s32 $0x11C00  }
0x4c: {  	[tilespmem:s16], [sflag:$0x1] =	stream.indirect.gather [hbm4b:s5+s6], $0x20, s15, s6, $0xb8;
	[tilespmem:$0x18C00] =	vst v63  }
0x4d: {  	s18 =	simm.s32 $0x900;
	s19 =	simm.s32 $0x12C00  }
0x4e: {  	[tilespmem:s19], [sflag:$0x1] =	stream.indirect.gather [hbm4b:s5+s6], $0x20, s18, s6, $0xb8;
	[tilespmem:$0x18C00] =	vst v63  }
0x4f: {  	s20 =	simm.s32 $0x980;
	s21 =	simm.s32 $0x13C00  }
0x50: {  	[tilespmem:s21], [sflag:$0x1] =	stream.indirect.gather [hbm4b:s5+s6], $0x20, s20, s6, $0xb8;
	[tilespmem:$0x18C00] =	vst v63  }
0x51: {  	s22 =	simm.s32 $0xA00;
	s23 =	simm.s32 $0x14C00  }
0x52: {  	[tilespmem:s23], [sflag:$0x1] =	stream.indirect.gather [hbm4b:s5+s6], $0x20, s22, s6, $0xb8;
	[tilespmem:$0x18C00] =	vst v63  }
0x53: {  	s24 =	simm.s32 $0xA80;
	s25 =	simm.s32 $0x15C00  }
0x54: {  	[tilespmem:s25], [sflag:$0x1] =	stream.indirect.gather [hbm4b:s5+s6], $0x20, s24, s6, $0xb8;
	[tilespmem:$0x18C00] =	vst v63  }
0x55: {  	s28 =	simm.s32 $0xB00;
	s29 =	simm.s32 $0x16C00  }
0x56: {  	[tilespmem:s29], [sflag:$0x1] =	stream.indirect.gather [hbm4b:s5+s6], $0x20, s28, s6, $0xb8;
	[tilespmem:$0x18C00] =	vst v63  }
0x57: {  	s30 =	simm.s32 $0xB80;
	s31 =	simm.s32 $0x17C00;
	s26 =	simm.s32 $0x1  }
0x58: {  	[tilespmem:s31], [sflag:$0x1] =	stream.indirect.gather [hbm4b:s5+s6], $0x20, s30, s6, $0xb8;
	[tilespmem:$0x18C00] =	vst v63  }
0x59: {  	_ =	swait.ge [sflag:s26], $0x1000  }
0x5a: {  	[sflag:s26] =	ssyncset.done $0x0  }
0x5b: {  	[sflag:s26] =	ssyncadd.s32 $0xFFFFF000  }
0x5c: {  	_ =	swait.ge [sflag:s26], $0x1000  }
0x5d: {  	[sflag:s26] =	ssyncset.done $0x0  }
0x5e: {  	[sflag:s26] =	ssyncadd.s32 $0xFFFFF000  }
0x5f: {  	_ =	swait.ge [sflag:s26], $0x1000  }
0x60: {  	[sflag:s26] =	ssyncset.done $0x0  }
0x61: {  	[sflag:s26] =	ssyncadd.s32 $0xFFFFF000  }
0x62: {  	_ =	swait.ge [sflag:s26], $0x1000  }
0x63: {  	[sflag:s26] =	ssyncset.done $0x0  }
0x64: {  	[sflag:s26] =	ssyncadd.s32 $0xFFFFF000  }
0x65: {  	_ =	swait.ge [sflag:s26], $0x1000  }
0x66: {  	[sflag:s26] =	ssyncset.done $0x0  }
0x67: {  	[sflag:s26] =	ssyncadd.s32 $0xFFFFF000  }
0x68: {  	_ =	swait.ge [sflag:s26], $0x1000  }
0x69: {  	[sflag:s26] =	ssyncset.done $0x0  }
0x6a: {  	[sflag:s26] =	ssyncadd.s32 $0xFFFFF000  }
0x6b: {  	_ =	swait.ge [sflag:s26], $0x1000  }
0x6c: {  	[sflag:s26] =	ssyncset.done $0x0  }
0x6d: {  	[sflag:s26] =	ssyncadd.s32 $0xFFFFF000  }
0x6e: {  	_ =	swait.ge [sflag:s26], $0x1000  }
0x6f: {  	[sflag:s26] =	ssyncset.done $0x0  }
0x70: {  	[sflag:s26] =	ssyncadd.s32 $0xFFFFF000  }
0x71: {  	_ =	swait.ge [sflag:s26], $0x1000  }
0x72: {  	[sflag:s26] =	ssyncset.done $0x0  }
0x73: {  	[sflag:s26] =	ssyncadd.s32 $0xFFFFF000  }
0x74: {  	_ =	swait.ge [sflag:s26], $0x1000  }
0x75: {  	[sflag:s26] =	ssyncset.done $0x0  }
0x76: {  	[sflag:s26] =	ssyncadd.s32 $0xFFFFF000  }
0x77: {  	_ =	swait.ge [sflag:s26], $0x1000  }
0x78: {  	[sflag:s26] =	ssyncset.done $0x0  }
0x79: {  	[sflag:s26] =	ssyncadd.s32 $0xFFFFF000  }
0x7a: {  	_ =	swait.ge [sflag:s26], $0x1000  }
0x7b: {  	[sflag:s26] =	ssyncset.done $0x0  }
0x7c: {  	[sflag:s26] =	ssyncadd.s32 $0xFFFFF000  }
0x7d: {  	_ =	swait.ge [sflag:s26], $0x1000  }
0x7e: {  	[sflag:s26] =	ssyncset.done $0x0  }
0x7f: {  	[sflag:s26] =	ssyncadd.s32 $0xFFFFF000  }
0x80: {  	_ =	swait.ge [sflag:s26], $0x1000  }
0x81: {  	[sflag:s26] =	ssyncset.done $0x0  }
0x82: {  	[sflag:s26] =	ssyncadd.s32 $0xFFFFF000  }
0x83: {  	_ =	swait.ge [sflag:s26], $0x1000  }
0x84: {  	[sflag:s26] =	ssyncset.done $0x0  }
0x85: {  	[sflag:s26] =	ssyncadd.s32 $0xFFFFF000  }
0x86: {  	_ =	swait.ge [sflag:s26], $0x1000  }
0x87: {  	[sflag:s26] =	ssyncset.done $0x0  }
0x88: {  	[sflag:s26] =	ssyncadd.s32 $0xFFFFF000  }
0x89: {  	_ =	swait.ge [sflag:s26], $0x1000  }
0x8a: {  	[sflag:s26] =	ssyncset.done $0x0  }
0x8b: {  	[sflag:s26] =	ssyncadd.s32 $0xFFFFF000  }
0x8c: {  	_ =	swait.ge [sflag:s26], $0x1000  }
0x8d: {  	[sflag:s26] =	ssyncset.done $0x0  }
0x8e: {  	[sflag:s26] =	ssyncadd.s32 $0xFFFFF000  }
0x8f: {  	_ =	swait.ge [sflag:s26], $0x1000  }
0x90: {  	[sflag:s26] =	ssyncset.done $0x0  }
0x91: {  	s17 =	ssub.s32 $0x2, s1;
	[sflag:s26] =	ssyncadd.s32 $0xFFFFF000  }
0x92: {  	s1 =	sshrl.u32 s17, $0x1;
	_ =	swait.ge [sflag:s26], $0x1000  }
0x93: {  	s0 =	ssub.s32 s17, s1;
	[sflag:s26] =	ssyncset.done $0x0  }
0x94: {  	s0 =	smax.u32 s0, $0x1;
	[sflag:s26] =	ssyncadd.s32 $0xFFFFF000  }
0x95: {  	p0 =	sne.s32 s0, $0x1;
	_ =	swait.ge [sflag:s26], $0x1000  }
.Ltmp0:
0x96: {  	[sflag:s26] =	ssyncset.done $0x0;
	(pc) =	sbr.rel @!p0 .LBB2_2-.Ltmp0, $4  }
0x97: {  	[sflag:s26] =	ssyncadd.s32 $0xFFFFF000  }
0x98: {  	_ =	swait.ge [sflag:s26], $0x1000  }
0x99: {  	[sflag:s26] =	ssyncset.done $0x0  }
0x9a: {  	s1 =	sadd.s32 $0xFFFFFFFF, s0;
	[sflag:s26] =	ssyncadd.s32 $0xFFFFF000  }
.LBB2_1:
0x9b: {  	_ =	swait.ge [sflag:s26], $0x1000  }
0x9c: {  	[sflag:s26] =	ssyncset.done $0x0  }
0x9d: {  	[sflag:s26] =	ssyncadd.s32 $0xFFFFF000  }
0x9e: {  	_ =	swait.ge [sflag:s26], $0x1000  }
0x9f: {  	[sflag:s26] =	ssyncset.done $0x0  }
0xa0: {  	s0 =	rddreg [dreg:$0x4];
	[sflag:s26] =	ssyncadd.s32 $0xFFFFF000  }
0xa1: {  	[hbm4b:s0+s2] =	stream.linear.scatter [tilespmem:s4], [sflag:$0x2], $0x18000, $0x38;
	[tilespmem:$0x18C00] =	vst v63  }
0xa2: {  	_ =	swait.ge [sflag:s3], $0x18000  }
0xa3: {  	[sflag:s3] =	ssyncset.done $0x0  }
0xa4: {  	s15 =	rddreg [dreg:$0x3];
	[sflag:s3] =	ssyncadd.s32 $0xFFFE8000  }
0xa5: {  	[tilespmem:s2], [sflag:$0x2] =	stream.linear.gather [hbm4b:s15+s2], $0xC00, $0x38;
	[tilespmem:$0x18C00] =	vst v63  }
0xa6: {  	_ =	swait.ge [sflag:s3], $0xC00  }
0xa7: {  	s0 =	rddreg [dreg:$0x19]  }
0xa8: {  	s7 =	rddreg [dreg:$0x17]  }
0xa9: {  	s8 =	rddreg [dreg:$0x15]  }
0xaa: {  	s9 =	rddreg [dreg:$0x13]  }
0xab: {  	s10 =	rddreg [dreg:$0x11]  }
0xac: {  	s11 =	rddreg [dreg:$0xf]  }
0xad: {  	s12 =	rddreg [dreg:$0xd]  }
0xae: {  	s13 =	rddreg [dreg:$0xb]  }
0xaf: {  	s14 =	rddreg [dreg:$0x6];
	[sflag:s3] =	ssyncset.done $0x0  }
0xb0: {  	s15 =	rddreg [dreg:$0x5];
	[sflag:s3] =	ssyncadd.s32 $0xFFFFF400  }
0xb1: {  	[tilespmem:s4], [sflag:$0x1] =	stream.indirect.gather [hbm4b:s5+s6], $0x20, s2, s6, $0xb8;
	[tilespmem:$0x18C00] =	vst v63  }
0xb2: {  	s16 =	rddreg [dreg:$0x7]  }
0xb3: {  	[tilespmem:s15], [sflag:$0x1] =	stream.indirect.gather [hbm4b:s5+s6], $0x20, s6, s6, $0xb8;
	[tilespmem:$0x18C00] =	vst v63  }
0xb4: {  	s17 =	rddreg [dreg:$0x9]  }
0xb5: {  	[tilespmem:s16], [sflag:$0x1] =	stream.indirect.gather [hbm4b:s5+s6], $0x20, s14, s6, $0xb8;
	[tilespmem:$0x18C00] =	vst v63  }
0xb6: {  	s15 =	rddreg [dreg:$0x8]  }
0xb7: {  	[tilespmem:s17], [sflag:$0x1] =	stream.indirect.gather [hbm4b:s5+s6], $0x20, s15, s6, $0xb8;
	[tilespmem:$0x18C00] =	vst v63  }
0xb8: {  	s16 =	rddreg [dreg:$0xa]  }
0xb9: {  	[tilespmem:s13], [sflag:$0x1] =	stream.indirect.gather [hbm4b:s5+s6], $0x20, s16, s6, $0xb8;
	[tilespmem:$0x18C00] =	vst v63  }
0xba: {  	s17 =	rddreg [dreg:$0xc]  }
0xbb: {  	[tilespmem:s12], [sflag:$0x1] =	stream.indirect.gather [hbm4b:s5+s6], $0x20, s17, s6, $0xb8;
	[tilespmem:$0x18C00] =	vst v63  }
0xbc: {  	s14 =	rddreg [dreg:$0xe]  }
0xbd: {  	[tilespmem:s11], [sflag:$0x1] =	stream.indirect.gather [hbm4b:s5+s6], $0x20, s14, s6, $0xb8;
	[tilespmem:$0x18C00] =	vst v63  }
0xbe: {  	s16 =	rddreg [dreg:$0x10]  }
0xbf: {  	[tilespmem:s10], [sflag:$0x1] =	stream.indirect.gather [hbm4b:s5+s6], $0x20, s16, s6, $0xb8;
	[tilespmem:$0x18C00] =	vst v63  }
0xc0: {  	s17 =	rddreg [dreg:$0x12]  }
0xc1: {  	[tilespmem:s9], [sflag:$0x1] =	stream.indirect.gather [hbm4b:s5+s6], $0x20, s17, s6, $0xb8;
	[tilespmem:$0x18C00] =	vst v63  }
0xc2: {  	s13 =	rddreg [dreg:$0x14]  }
0xc3: {  	[tilespmem:s8], [sflag:$0x1] =	stream.indirect.gather [hbm4b:s5+s6], $0x20, s13, s6, $0xb8;
	[tilespmem:$0x18C00] =	vst v63  }
0xc4: {  	s14 =	rddreg [dreg:$0x16]  }
0xc5: {  	[tilespmem:s7], [sflag:$0x1] =	stream.indirect.gather [hbm4b:s5+s6], $0x20, s14, s6, $0xb8;
	[tilespmem:$0x18C00] =	vst v63  }
0xc6: {  	s15 =	rddreg [dreg:$0x18]  }
0xc7: {  	[tilespmem:s0], [sflag:$0x1] =	stream.indirect.gather [hbm4b:s5+s6], $0x20, s15, s6, $0xb8;
	[tilespmem:$0x18C00] =	vst v63  }
0xc8: {  	s16 =	rddreg [dreg:$0x1a];
	s17 =	simm.s32 $0xCC00  }
0xc9: {  	[tilespmem:s17], [sflag:$0x1] =	stream.indirect.gather [hbm4b:s5+s6], $0x20, s16, s6, $0xb8;
	[tilespmem:$0x18C00] =	vst v63  }
0xca: {  	s9 =	simm.s32 $0xDC00;
	s8 =	simm.s32 $0x680  }
0xcb: {  	[tilespmem:s9], [sflag:$0x1] =	stream.indirect.gather [hbm4b:s5+s6], $0x20, s8, s6, $0xb8;
	[tilespmem:$0x18C00] =	vst v63  }
0xcc: {  	s11 =	simm.s32 $0xEC00;
	s10 =	simm.s32 $0x700  }
0xcd: {  	[tilespmem:s11], [sflag:$0x1] =	stream.indirect.gather [hbm4b:s5+s6], $0x20, s10, s6, $0xb8;
	[tilespmem:$0x18C00] =	vst v63  }
0xce: {  	s12 =	simm.s32 $0x780;
	s13 =	simm.s32 $0xFC00  }
0xcf: {  	[tilespmem:s13], [sflag:$0x1] =	stream.indirect.gather [hbm4b:s5+s6], $0x20, s12, s6, $0xb8;
	[tilespmem:$0x18C00] =	vst v63  }
0xd0: {  	s14 =	simm.s32 $0x800;
	s15 =	simm.s32 $0x10C00  }
0xd1: {  	[tilespmem:s15], [sflag:$0x1] =	stream.indirect.gather [hbm4b:s5+s6], $0x20, s14, s6, $0xb8;
	[tilespmem:$0x18C00] =	vst v63  }
0xd2: {  	s16 =	simm.s32 $0x880;
	s17 =	simm.s32 $0x11C00  }
0xd3: {  	[tilespmem:s17], [sflag:$0x1] =	stream.indirect.gather [hbm4b:s5+s6], $0x20, s16, s6, $0xb8;
	[tilespmem:$0x18C00] =	vst v63  }
0xd4: {  	_ = 	snop  }
0xd5: {  	[tilespmem:s19], [sflag:$0x1] =	stream.indirect.gather [hbm4b:s5+s6], $0x20, s18, s6, $0xb8;
	[tilespmem:$0x18C00] =	vst v63  }
0xd6: {  	_ = 	snop  }
0xd7: {  	[tilespmem:s21], [sflag:$0x1] =	stream.indirect.gather [hbm4b:s5+s6], $0x20, s20, s6, $0xb8;
	[tilespmem:$0x18C00] =	vst v63  }
0xd8: {  	_ = 	snop  }
0xd9: {  	[tilespmem:s23], [sflag:$0x1] =	stream.indirect.gather [hbm4b:s5+s6], $0x20, s22, s6, $0xb8;
	[tilespmem:$0x18C00] =	vst v63  }
0xda: {  	_ = 	snop  }
0xdb: {  	[tilespmem:s25], [sflag:$0x1] =	stream.indirect.gather [hbm4b:s5+s6], $0x20, s24, s6, $0xb8;
	[tilespmem:$0x18C00] =	vst v63  }
0xdc: {  	_ = 	snop  }
0xdd: {  	[tilespmem:s29], [sflag:$0x1] =	stream.indirect.gather [hbm4b:s5+s6], $0x20, s28, s6, $0xb8;
	[tilespmem:$0x18C00] =	vst v63  }
0xde: {  	_ = 	snop  }
0xdf: {  	[tilespmem:s31], [sflag:$0x1] =	stream.indirect.gather [hbm4b:s5+s6], $0x20, s30, s6, $0xb8;
	[tilespmem:$0x18C00] =	vst v63  }
0xe0: {  	_ =	swait.ge [sflag:s26], $0x1000  }
0xe1: {  	[sflag:s26] =	ssyncset.done $0x0  }
0xe2: {  	[sflag:s26] =	ssyncadd.s32 $0xFFFFF000  }
0xe3: {  	_ =	swait.ge [sflag:s26], $0x1000  }
0xe4: {  	[sflag:s26] =	ssyncset.done $0x0  }
0xe5: {  	[sflag:s26] =	ssyncadd.s32 $0xFFFFF000  }
0xe6: {  	_ =	swait.ge [sflag:s26], $0x1000  }
0xe7: {  	[sflag:s26] =	ssyncset.done $0x0  }
0xe8: {  	[sflag:s26] =	ssyncadd.s32 $0xFFFFF000  }
0xe9: {  	_ =	swait.ge [sflag:s26], $0x1000  }
0xea: {  	[sflag:s26] =	ssyncset.done $0x0  }
0xeb: {  	[sflag:s26] =	ssyncadd.s32 $0xFFFFF000  }
0xec: {  	_ =	swait.ge [sflag:s26], $0x1000  }
0xed: {  	[sflag:s26] =	ssyncset.done $0x0  }
0xee: {  	[sflag:s26] =	ssyncadd.s32 $0xFFFFF000  }
0xef: {  	_ =	swait.ge [sflag:s26], $0x1000  }
0xf0: {  	[sflag:s26] =	ssyncset.done $0x0  }
0xf1: {  	[sflag:s26] =	ssyncadd.s32 $0xFFFFF000  }
0xf2: {  	_ =	swait.ge [sflag:s26], $0x1000  }
0xf3: {  	[sflag:s26] =	ssyncset.done $0x0  }
0xf4: {  	[sflag:s26] =	ssyncadd.s32 $0xFFFFF000  }
0xf5: {  	_ =	swait.ge [sflag:s26], $0x1000  }
0xf6: {  	[sflag:s26] =	ssyncset.done $0x0  }
0xf7: {  	[sflag:s26] =	ssyncadd.s32 $0xFFFFF000  }
0xf8: {  	_ =	swait.ge [sflag:s26], $0x1000  }
0xf9: {  	[sflag:s26] =	ssyncset.done $0x0  }
0xfa: {  	[sflag:s26] =	ssyncadd.s32 $0xFFFFF000  }
0xfb: {  	_ =	swait.ge [sflag:s26], $0x1000  }
0xfc: {  	[sflag:s26] =	ssyncset.done $0x0  }
0xfd: {  	[sflag:s26] =	ssyncadd.s32 $0xFFFFF000  }
0xfe: {  	_ =	swait.ge [sflag:s26], $0x1000  }
0xff: {  	[sflag:s26] =	ssyncset.done $0x0  }
0x100: {  	[sflag:s26] =	ssyncadd.s32 $0xFFFFF000  }
0x101: {  	_ =	swait.ge [sflag:s26], $0x1000  }
0x102: {  	[sflag:s26] =	ssyncset.done $0x0  }
0x103: {  	[sflag:s26] =	ssyncadd.s32 $0xFFFFF000  }
0x104: {  	_ =	swait.ge [sflag:s26], $0x1000  }
0x105: {  	[sflag:s26] =	ssyncset.done $0x0  }
0x106: {  	[sflag:s26] =	ssyncadd.s32 $0xFFFFF000  }
0x107: {  	_ =	swait.ge [sflag:s26], $0x1000  }
0x108: {  	[sflag:s26] =	ssyncset.done $0x0  }
0x109: {  	[sflag:s26] =	ssyncadd.s32 $0xFFFFF000  }
0x10a: {  	_ =	swait.ge [sflag:s26], $0x1000  }
0x10b: {  	[sflag:s26] =	ssyncset.done $0x0  }
0x10c: {  	[sflag:s26] =	ssyncadd.s32 $0xFFFFF000  }
0x10d: {  	_ =	swait.ge [sflag:s26], $0x1000  }
0x10e: {  	[sflag:s26] =	ssyncset.done $0x0  }
0x10f: {  	[sflag:s26] =	ssyncadd.s32 $0xFFFFF000  }
0x110: {  	_ =	swait.ge [sflag:s26], $0x1000  }
0x111: {  	[sflag:s26] =	ssyncset.done $0x0  }
0x112: {  	[sflag:s26] =	ssyncadd.s32 $0xFFFFF000  }
0x113: {  	_ =	swait.ge [sflag:s26], $0x1000  }
0x114: {  	[sflag:s26] =	ssyncset.done $0x0  }
0x115: {  	[sflag:s26] =	ssyncadd.s32 $0xFFFFF000  }
0x116: {  	_ =	swait.ge [sflag:s26], $0x1000  }
0x117: {  	[sflag:s26] =	ssyncset.done $0x0  }
0x118: {  	[sflag:s26] =	ssyncadd.s32 $0xFFFFF000  }
0x119: {  	_ =	swait.ge [sflag:s26], $0x1000  }
0x11a: {  	[sflag:s26] =	ssyncset.done $0x0  }
0x11b: {  	[sflag:s26] =	ssyncadd.s32 $0xFFFFF000  }
0x11c: {  	p0 =	sne.s32 s1, $0x1;
	_ =	swait.ge [sflag:s26], $0x1000  }
.Ltmp1:
0x11d: {  	[sflag:s26] =	ssyncset.done $0x0;
	(pc) =	sbr.rel @p0 .LBB2_1-.Ltmp1, $4  }
0x11e: {  	[sflag:s26] =	ssyncadd.s32 $0xFFFFF000  }
0x11f: {  	_ =	swait.ge [sflag:s26], $0x1000  }
0x120: {  	[sflag:s26] =	ssyncset.done $0x0  }
0x121: {  	s1 =	sadd.s32 $0xFFFFFFFF, s1;
	[sflag:s26] =	ssyncadd.s32 $0xFFFFF000  }
.LBB2_2:
0x122: {  	_ =	swait.ge [sflag:s26], $0x1000  }
0x123: {  	[sflag:s26] =	ssyncset.done $0x0  }
0x124: {  	[sflag:s26] =	ssyncadd.s32 $0xFFFFF000  }
0x125: {  	_ =	swait.ge [sflag:s26], $0x1000  }
0x126: {  	[sflag:s26] =	ssyncset.done $0x0  }
0x127: {  	s0 =	rddreg [dreg:$0x4];
	[sflag:s26] =	ssyncadd.s32 $0xFFFFF000  }
0x128: {  	[hbm4b:s0+s2] =	stream.linear.scatter [tilespmem:s4], [sflag:$0x2], $0x18000, $0x38;
	[tilespmem:$0x18C00] =	vst v63  }
0x129: {  	_ =	swait.ge [sflag:s3], $0x18000  }
0x12a: {  	[sflag:s3] =	ssyncset.done $0x0  }
0x12b: {  	[sflag:s3] =	ssyncadd.s32 $0xFFFE8000  }
0x12c: {  	_ =	sfence.sel $0x180000  }
0x12d: {  	[bflag:$0x0] =	sbarrier.arrive $0xFFFF  }
0x12e: {  	_ =	strace $0x90000047  }
0x12f: {  	s31 =	stileid.u32;
	[bflag:$0x2] =	sbarrier.arrive $0xFFFF  }
0x130: {  	p0 =	sne.s32 s31, $0x0;
	s0 =	rddreg [dreg:$0x2]  }
0x131: {  	s0 =	sadd.s32 @!p0 $0x100000, s0  }
0x132: {  	[sflag:s0] =	ssyncadd.tile.s32 @!p0 $0x1;
	_ =	shalt  }
.Lfunc_end2:
_tile_overlayer_lowered:
.L_overlay_start_2:
0x133: {  	(tag) =	ssettag $0x2  }
0x134: {  	s0 =	rddreg [dreg:$0x0];
	s2 =	stileid.u32  }
0x135: {  	s1 =	rddreg [dreg:$0x1];
	p0 =	sne.s32 s2, $0x0  }
0x136: {  	s3 =	rddreg [dreg:$0x2];
	[bflag:$0x3] =	sbarrier.arrive $0xFFFF;
	s2 =	simm.s32 @!p0 $0x1C02  }
0x137: {  	[timem:s3], [sflag:s2] =	dma.local @!p0 [hbm:s0], s1  }
0x138: {  	s0 =	simm.s32 @!p0 $0x2  }
0x139: {  	_ =	swait.ge @!p0 [sflag:s0], s1  }
0x13a: {  	s1 =	ssub.s32 @!p0 $0x0, s1;
	[sflag:s0] =	ssyncset.done @!p0 $0x0  }
0x13b: {  	[sflag:s0] =	ssyncadd.s32 @!p0 s1  }
0x13c: {  	[bflag:$0x3] =	sbarrier.arrive $0xFFFF  }
0x13d: {  	_ =	shalt  }

</sc_bundles>
